<compile_context>
chip_gen: v7x
topology: tpu7x:2x2x1
jax: 0.10.2.dev20260603
libtpu: 0.0.44.dev20260713+nightly
codegen_flags: <defaults>
</compile_context>

<pallas_src>
import functools

import jax
import jax.numpy as jnp
from jax import lax
from jax.experimental import pallas as pl
from jax.experimental.pallas import tpu as pltpu
from jax.experimental.pallas import tpu_sc as plsc

T, X, Y, U = 4096, 4096, 4096, 4096
RT, RS, RP = 16, 32, 8
B = 131072

NC, NS, L = 2, 16, 16
NW = NC * NS
PER_W = B // NW
C = 128
N_CHUNKS = PER_W // C

_GDN = lax.GatherDimensionNumbers(
    offset_dims=(), collapsed_slice_dims=(0,), start_index_map=(0,))


def _splat(vec, i):
    idx = jnp.full((L, 1), i, jnp.int32)
    return lax.gather(vec, idx, _GDN, (1,),
                      mode=lax.GatherScatterMode.PROMISE_IN_BOUNDS)


def _sc_mpo(tt, axl, axh, by, pu, t_idx, x_idx, y_idx, u_idx):
    mesh = plsc.VectorSubcoreMesh(core_axis_name="c", subcore_axis_name="s")

    buf_set = lambda: [
        pltpu.VMEM((C, RT), jnp.int32),
        pltpu.VMEM((C, RT * RS // 4), jnp.int32),
        pltpu.VMEM((C, RT * RS // 4), jnp.int32),
        pltpu.VMEM((C, RS * RP // 2), jnp.int32),
        pltpu.VMEM((C, 16), jnp.float32),
    ]

    @functools.partial(
        pl.kernel,
        out_type=jax.ShapeDtypeStruct((B,), jnp.float32),
        mesh=mesh,
        compiler_params=pltpu.CompilerParams(
            needs_layout_passes=False, use_tc_tiling_on_sc=False),
        scratch_types=[
            pltpu.VMEM((PER_W,), jnp.int32),
            pltpu.VMEM((PER_W,), jnp.int32),
            pltpu.VMEM((PER_W,), jnp.int32),
            pltpu.VMEM((PER_W,), jnp.int32),
            *buf_set(),
            *buf_set(),
            pltpu.VMEM((C,), jnp.float32),
            pltpu.SemaphoreType.DMA,
            pltpu.SemaphoreType.DMA,
        ],
    )
    def k(tt_h, axl_h, axh_h, by_h, pu_h, ti_h, xi_h, yi_h, ui_h, out_h,
          ti_v, xi_v, yi_v, ui_v,
          t0, al0, ah0, b0, p0, t1, al1, ah1, b1, p1, o_b, sem0, sem1):
        wid = lax.axis_index("s") * NC + lax.axis_index("c")
        base = wid * PER_W
        pltpu.sync_copy(ti_h.at[pl.ds(base, PER_W)], ti_v)
        pltpu.sync_copy(xi_h.at[pl.ds(base, PER_W)], xi_v)
        pltpu.sync_copy(yi_h.at[pl.ds(base, PER_W)], yi_v)
        pltpu.sync_copy(ui_h.at[pl.ds(base, PER_W)], ui_v)

        def descriptors(cidx, bufs, sem):
            off = cidx * C
            t_b, al_b, ah_b, b_b, p_b = bufs
            return [
                pltpu.make_async_copy(
                    tt_h.at[ti_v.at[pl.ds(off, C)]], t_b, sem),
                pltpu.make_async_copy(
                    axl_h.at[xi_v.at[pl.ds(off, C)]], al_b, sem),
                pltpu.make_async_copy(
                    axh_h.at[xi_v.at[pl.ds(off, C)]], ah_b, sem),
                pltpu.make_async_copy(
                    by_h.at[yi_v.at[pl.ds(off, C)]], b_b, sem),
                pltpu.make_async_copy(
                    pu_h.at[ui_v.at[pl.ds(off, C)]], p_b, sem),
            ]

        def issue(cidx, bufs, sem):
            @pl.when(cidx < N_CHUNKS)
            def _():
                for d in descriptors(cidx, bufs, sem):
                    d.start()

        def drain(bufs, sem):
            for d in descriptors(0, bufs, sem):
                d.wait()

        lane = lax.iota(jnp.int32, L)
        last_lane = lane == (L - 1)

        def compute(cidx, bufs):
            t_b, al_b, ah_b, b_b, p_b = bufs

            @plsc.parallel_loop(0, C, unroll=2)
            def sample(s):
                tdup = t_b[s, :]
                p_vec = p_b[s, :]

                acc1a = jnp.zeros((2 * L,), jnp.bfloat16)
                acc1b = jnp.zeros((2 * L,), jnp.bfloat16)
                for q in range(RT):
                    t32 = plsc.bitcast(_splat(tdup, q), jnp.bfloat16)
                    src_b = al_b if q < RT // 2 else ah_b
                    qq = q if q < RT // 2 else q - RT // 2
                    a_q = plsc.bitcast(src_b[s, pl.ds(qq * L, L)],
                                       jnp.bfloat16)
                    if q % 2 == 0:
                        acc1a = acc1a + t32 * a_q
                    else:
                        acc1b = acc1b + t32 * a_q
                t1A, t1B = plsc.unpack(acc1a + acc1b,
                                       format=plsc.PackFormat.INTERLEAVED)
                t1 = (t1A, t1B)

                outA = jnp.zeros((L,), jnp.float32)
                outB = jnp.zeros((L,), jnp.float32)
                for kp in range(RP // 2):
                    slo = jnp.zeros((L,), jnp.float32)
                    shi = jnp.zeros((L,), jnp.float32)
                    for h in range(2):
                        q = kp * 2 + h
                        b_q = plsc.bitcast(b_b[s, pl.ds(q * L, L)],
                                           jnp.bfloat16)
                        blo, bhi = plsc.unpack(
                            b_q, format=plsc.PackFormat.INTERLEAVED)
                        slo = slo + t1[h] * blo
                        shi = shi + t1[h] * bhi
                    pk0 = _splat(p_vec, 2 * kp)
                    pk1 = _splat(p_vec, 2 * kp + 1)
                    if kp % 2 == 0:
                        outA = outA + slo * pk0 + shi * pk1
                    else:
                        outB = outB + slo * pk0 + shi * pk1

                total = plsc.cumsum(outA + outB)
                plsc.store_scatter(o_b, [jnp.full((L,), s, jnp.int32)],
                                   total, mask=last_lane)

            pltpu.sync_copy(o_b, out_h.at[pl.ds(base + cidx * C, C)])

        set0 = (t0, al0, ah0, b0, p0)
        set1 = (t1, al1, ah1, b1, p1)

        issue(0, set0, sem0)

        @pl.loop(0, N_CHUNKS, step=2)
        def chunk2(c):
            issue(c + 1, set1, sem1)
            drain(set0, sem0)
            compute(c, set0)
            issue(c + 2, set0, sem0)
            drain(set1, sem1)
            compute(c + 1, set1)

    return k(tt, axl, axh, by, pu, t_idx, x_idx, y_idx, u_idx)


def kernel(core_time, core_space_x, core_space_y, core_physics, indices):
    f32, bf16 = jnp.float32, jnp.bfloat16

    tb = core_time[0].astype(bf16)
    tt = lax.bitcast_convert_type(
        jnp.stack([tb, tb], axis=-1), jnp.int32)

    axb = jnp.transpose(core_space_x, (1, 0, 2)).astype(bf16)
    ax = lax.bitcast_convert_type(
        jnp.stack([axb[:, :, :16], axb[:, :, 16:]], axis=-1),
        jnp.int32).reshape(X, RT * RS // 2)

    byb = jnp.transpose(core_space_y, (1, 0, 2)).astype(bf16)
    byr = byb.reshape(Y, 2, 16, RP // 2, 2)
    by = lax.bitcast_convert_type(
        jnp.transpose(byr, (0, 3, 1, 2, 4)),
        jnp.int32).reshape(Y, RS * RP // 2)

    pu = jnp.pad(core_physics[:, :, 0].T.astype(f32),
                 ((0, 0), (0, 16 - RP)))

    t_idx = indices[:, 0]
    x_idx = indices[:, 1]
    y_idx = indices[:, 2]
    u_idx = indices[:, 3]
    return _sc_mpo(tt, ax[:, :RT * RS // 4], ax[:, RT * RS // 4:],
                   by, pu, t_idx, x_idx, y_idx, u_idx)

# --- scband reference (transcript-rebuilt; emitter-appended) ---
"""Pipeline reference for scband-mpodecomposition4-d-49546742727261 (READ-ONLY COPY).

The authoritative reference and input builder live on the scoring server;
editing this copy changes nothing except your own understanding.
"""

import jax, jax.numpy as jnp
import numpy as np

T, X, Y, U = 4096, 4096, 4096, 4096
RT, RS, RP = 16, 32, 8
B = 131072

def setup_inputs(seed: int = 0) -> dict:
    key = jax.random.key(seed)
    k1, k2, k3, k4, k5 = jax.random.split(key, 5)
    indices = jax.random.randint(k1, (B, 4), 0, 4096, dtype=jnp.int32)
    core_time = jax.random.normal(k2, (1, T, RT), dtype=jnp.float32) * 0.1
    core_space_x = jax.random.normal(k3, (RT, X, RS), dtype=jnp.float32) * 0.1
    core_space_y = jax.random.normal(k4, (RS, Y, RP), dtype=jnp.float32) * 0.1
    core_physics = jax.random.normal(k5, (RP, U, 1), dtype=jnp.float32) * 0.1
    return {"core_time": core_time, "core_space_x": core_space_x,
            "core_space_y": core_space_y, "core_physics": core_physics,
            "indices": indices}

def reference(core_time, core_space_x, core_space_y, core_physics, indices):
    t_idx = indices[:, 0]
    x_idx = indices[:, 1]
    y_idx = indices[:, 2]
    u_idx = indices[:, 3]
    time_vals = core_time[0, t_idx, :]                                  # [B, RT]
    space_x_vals = jnp.transpose(core_space_x[:, x_idx, :], (1, 0, 2))   # [B, RT, RS]
    space_y_vals = jnp.transpose(core_space_y[:, y_idx, :], (1, 0, 2))   # [B, RS, RP]
    physics_vals = jnp.transpose(core_physics[:, u_idx, :], (1, 0, 2))   # [B, RP, 1]
    temp1 = jnp.einsum('bi,bij->bj', time_vals, space_x_vals)           # [B, RS]
    temp2 = jnp.einsum('bj,bjk->bk', temp1, space_y_vals)               # [B, RP]
    result = jnp.einsum('bk,bkl->bl', temp2, physics_vals)              # [B, 1]
    return result.squeeze(-1)

if __name__ == "__main__":
    import jax
    _d = setup_inputs()
    print(jax.jit(kernel)(*tuple(_d.values())))

</pallas_src>

<mosaic_0001>
#map = affine_map<(d0, d1) -> (0, 0)>
#map1 = affine_map<(d0, d1) -> (0)>
module attributes {stable_mosaic.version = 14 : i64} {
  func.func @k(%arg0: i32, %arg1: i32, %arg2: memref<4096x16xi32, #tpu.memory_space<hbm>>, %arg3: memref<4096x128xi32, #tpu.memory_space<hbm>>, %arg4: memref<4096x128xi32, #tpu.memory_space<hbm>>, %arg5: memref<4096x128xi32, #tpu.memory_space<hbm>>, %arg6: memref<4096x16xf32, #tpu.memory_space<hbm>>, %arg7: memref<131072xi32, #tpu.memory_space<hbm>>, %arg8: memref<131072xi32, #tpu.memory_space<hbm>>, %arg9: memref<131072xi32, #tpu.memory_space<hbm>>, %arg10: memref<131072xi32, #tpu.memory_space<hbm>>, %arg11: memref<131072xf32, #tpu.memory_space<hbm>>, %arg12: memref<4096xi32, #tpu.memory_space<vmem>>, %arg13: memref<4096xi32, #tpu.memory_space<vmem>>, %arg14: memref<4096xi32, #tpu.memory_space<vmem>>, %arg15: memref<4096xi32, #tpu.memory_space<vmem>>, %arg16: memref<128x16xi32, #tpu.memory_space<vmem>>, %arg17: memref<128x128xi32, #tpu.memory_space<vmem>>, %arg18: memref<128x128xi32, #tpu.memory_space<vmem>>, %arg19: memref<128x128xi32, #tpu.memory_space<vmem>>, %arg20: memref<128x16xf32, #tpu.memory_space<vmem>>, %arg21: memref<128x16xi32, #tpu.memory_space<vmem>>, %arg22: memref<128x128xi32, #tpu.memory_space<vmem>>, %arg23: memref<128x128xi32, #tpu.memory_space<vmem>>, %arg24: memref<128x128xi32, #tpu.memory_space<vmem>>, %arg25: memref<128x16xf32, #tpu.memory_space<vmem>>, %arg26: memref<128xf32, #tpu.memory_space<vmem>>, %arg27: memref<!tpu.dma_semaphore, #tpu.memory_space<semaphore_mem>>, %arg28: memref<!tpu.dma_semaphore, #tpu.memory_space<semaphore_mem>>) attributes {dimension_semantics = [#tpu.dimension_semantics<core_parallel>, #tpu.dimension_semantics<subcore_parallel>], iteration_bounds = array<i64: 2, 16>, scalar_prefetch = 0 : i64, scratch_operands = 17 : i64, tpu.core_type = #tpu.core_type<sc_vector_subcore>, window_params = [{transform_indices = #map}, {transform_indices = #map}, {transform_indices = #map}, {transform_indices = #map}, {transform_indices = #map}, {transform_indices = #map1}, {transform_indices = #map1}, {transform_indices = #map1}, {transform_indices = #map1}, {transform_indices = #map1}]} {
    %mul3A = arith.constant 2 : i32
    %mul3A_0 = arith.muli %arg1, %mul3A : i32
    %add3A = arith.addi %mul3A_0, %arg0 : i32
    %mul3A_1 = arith.constant 4096 : i32
    %mul3A_2 = arith.muli %add3A, %mul3A_1 : i32
    "tpu.region"() ({
      %run_scoped3A = tpu.sem_alloc : memref<!tpu.dma_semaphore, #tpu.memory_space<semaphore_mem>>
      %dma_start3A_33 = tpu.memref_slice %arg7[%mul3A_2] : memref<131072xi32, #tpu.memory_space<hbm>> -> memref<4096xi32, #tpu.memory_space<hbm>>
      %dma_start3A_34 = tpu.memref_slice %arg7[%mul3A_2] : memref<131072xi32, #tpu.memory_space<hbm>> -> memref<4096xi32, #tpu.memory_space<hbm>>
      tpu.enqueue_dma source(%dma_start3A_34 : memref<4096xi32, #tpu.memory_space<hbm>>) target(%arg12 : memref<4096xi32, #tpu.memory_space<vmem>>) target_semaphore(%run_scoped3A : memref<!tpu.dma_semaphore, #tpu.memory_space<semaphore_mem>>)
      %dma_wait3A = tpu.memref_slice %arg7[%mul3A_2] : memref<131072xi32, #tpu.memory_space<hbm>> -> memref<4096xi32, #tpu.memory_space<hbm>>
      %dma_wait3A_35 = tpu.memref_slice %arg7[%mul3A_2] : memref<131072xi32, #tpu.memory_space<hbm>> -> memref<4096xi32, #tpu.memory_space<hbm>>
      tpu.wait_dma2 semaphore(%run_scoped3A : memref<!tpu.dma_semaphore, #tpu.memory_space<semaphore_mem>>) src(%dma_wait3A_35 : memref<4096xi32, #tpu.memory_space<hbm>>) dst(%arg12 : memref<4096xi32, #tpu.memory_space<vmem>>)
      tpu.yield
    }) : () -> ()
    "tpu.region"() ({
      %run_scoped3A = tpu.sem_alloc : memref<!tpu.dma_semaphore, #tpu.memory_space<semaphore_mem>>
      %dma_start3A_33 = tpu.memref_slice %arg8[%mul3A_2] : memref<131072xi32, #tpu.memory_space<hbm>> -> memref<4096xi32, #tpu.memory_space<hbm>>
      %dma_start3A_34 = tpu.memref_slice %arg8[%mul3A_2] : memref<131072xi32, #tpu.memory_space<hbm>> -> memref<4096xi32, #tpu.memory_space<hbm>>
      tpu.enqueue_dma source(%dma_start3A_34 : memref<4096xi32, #tpu.memory_space<hbm>>) target(%arg13 : memref<4096xi32, #tpu.memory_space<vmem>>) target_semaphore(%run_scoped3A : memref<!tpu.dma_semaphore, #tpu.memory_space<semaphore_mem>>)
      %dma_wait3A = tpu.memref_slice %arg8[%mul3A_2] : memref<131072xi32, #tpu.memory_space<hbm>> -> memref<4096xi32, #tpu.memory_space<hbm>>
      %dma_wait3A_35 = tpu.memref_slice %arg8[%mul3A_2] : memref<131072xi32, #tpu.memory_space<hbm>> -> memref<4096xi32, #tpu.memory_space<hbm>>
      tpu.wait_dma2 semaphore(%run_scoped3A : memref<!tpu.dma_semaphore, #tpu.memory_space<semaphore_mem>>) src(%dma_wait3A_35 : memref<4096xi32, #tpu.memory_space<hbm>>) dst(%arg13 : memref<4096xi32, #tpu.memory_space<vmem>>)
      tpu.yield
    }) : () -> ()
    "tpu.region"() ({
      %run_scoped3A = tpu.sem_alloc : memref<!tpu.dma_semaphore, #tpu.memory_space<semaphore_mem>>
      %dma_start3A_33 = tpu.memref_slice %arg9[%mul3A_2] : memref<131072xi32, #tpu.memory_space<hbm>> -> memref<4096xi32, #tpu.memory_space<hbm>>
      %dma_start3A_34 = tpu.memref_slice %arg9[%mul3A_2] : memref<131072xi32, #tpu.memory_space<hbm>> -> memref<4096xi32, #tpu.memory_space<hbm>>
      tpu.enqueue_dma source(%dma_start3A_34 : memref<4096xi32, #tpu.memory_space<hbm>>) target(%arg14 : memref<4096xi32, #tpu.memory_space<vmem>>) target_semaphore(%run_scoped3A : memref<!tpu.dma_semaphore, #tpu.memory_space<semaphore_mem>>)
      %dma_wait3A = tpu.memref_slice %arg9[%mul3A_2] : memref<131072xi32, #tpu.memory_space<hbm>> -> memref<4096xi32, #tpu.memory_space<hbm>>
      %dma_wait3A_35 = tpu.memref_slice %arg9[%mul3A_2] : memref<131072xi32, #tpu.memory_space<hbm>> -> memref<4096xi32, #tpu.memory_space<hbm>>
      tpu.wait_dma2 semaphore(%run_scoped3A : memref<!tpu.dma_semaphore, #tpu.memory_space<semaphore_mem>>) src(%dma_wait3A_35 : memref<4096xi32, #tpu.memory_space<hbm>>) dst(%arg14 : memref<4096xi32, #tpu.memory_space<vmem>>)
      tpu.yield
    }) : () -> ()
    "tpu.region"() ({
      %run_scoped3A = tpu.sem_alloc : memref<!tpu.dma_semaphore, #tpu.memory_space<semaphore_mem>>
      %dma_start3A_33 = tpu.memref_slice %arg10[%mul3A_2] : memref<131072xi32, #tpu.memory_space<hbm>> -> memref<4096xi32, #tpu.memory_space<hbm>>
      %dma_start3A_34 = tpu.memref_slice %arg10[%mul3A_2] : memref<131072xi32, #tpu.memory_space<hbm>> -> memref<4096xi32, #tpu.memory_space<hbm>>
      tpu.enqueue_dma source(%dma_start3A_34 : memref<4096xi32, #tpu.memory_space<hbm>>) target(%arg15 : memref<4096xi32, #tpu.memory_space<vmem>>) target_semaphore(%run_scoped3A : memref<!tpu.dma_semaphore, #tpu.memory_space<semaphore_mem>>)
      %dma_wait3A = tpu.memref_slice %arg10[%mul3A_2] : memref<131072xi32, #tpu.memory_space<hbm>> -> memref<4096xi32, #tpu.memory_space<hbm>>
      %dma_wait3A_35 = tpu.memref_slice %arg10[%mul3A_2] : memref<131072xi32, #tpu.memory_space<hbm>> -> memref<4096xi32, #tpu.memory_space<hbm>>
      tpu.wait_dma2 semaphore(%run_scoped3A : memref<!tpu.dma_semaphore, #tpu.memory_space<semaphore_mem>>) src(%dma_wait3A_35 : memref<4096xi32, #tpu.memory_space<hbm>>) dst(%arg15 : memref<4096xi32, #tpu.memory_space<vmem>>)
      tpu.yield
    }) : () -> ()
    %iota3A = tpu.iota {dimensions = array<i32: 0>} : vector<16xi32>
    %eq3A = arith.constant 15 : i32
    %eq3A_3 = vector.broadcast %eq3A : i32 to vector<16xi32>
    %eq3A_4 = arith.cmpi eq, %iota3A, %eq3A_3 : vector<16xi32>
    %dma_start3A = arith.constant 0 : i32
    %dma_start3A_5 = tpu.memref_slice %arg12[%dma_start3A] : memref<4096xi32, #tpu.memory_space<vmem>> -> memref<128xi32, #tpu.memory_space<vmem>>
    %dma_start3A_6 = arith.constant 0 : i32
    %dma_start3A_7 = arith.constant 0 : i32
    %dma_start3A_8 = tpu.memref_slice %arg2[%dma_start3A_6, %dma_start3A_7] : memref<4096x16xi32, #tpu.memory_space<hbm>> -> memref<4096x16xi32, #tpu.memory_space<hbm>>
    tpu.enqueue_indirect_dma source(%dma_start3A_8 : memref<4096x16xi32, #tpu.memory_space<hbm>>) target(%arg16 : memref<128x16xi32, #tpu.memory_space<vmem>>) offsets(%dma_start3A_5 : memref<128xi32, #tpu.memory_space<vmem>>) semaphore(%arg27 : memref<!tpu.dma_semaphore, #tpu.memory_space<semaphore_mem>>)
    %dma_start3A_9 = arith.constant 0 : i32
    %dma_start3A_10 = tpu.memref_slice %arg13[%dma_start3A_9] : memref<4096xi32, #tpu.memory_space<vmem>> -> memref<128xi32, #tpu.memory_space<vmem>>
    %dma_start3A_11 = arith.constant 0 : i32
    %dma_start3A_12 = arith.constant 0 : i32
    %dma_start3A_13 = tpu.memref_slice %arg3[%dma_start3A_11, %dma_start3A_12] : memref<4096x128xi32, #tpu.memory_space<hbm>> -> memref<4096x128xi32, #tpu.memory_space<hbm>>
    tpu.enqueue_indirect_dma source(%dma_start3A_13 : memref<4096x128xi32, #tpu.memory_space<hbm>>) target(%arg17 : memref<128x128xi32, #tpu.memory_space<vmem>>) offsets(%dma_start3A_10 : memref<128xi32, #tpu.memory_space<vmem>>) semaphore(%arg27 : memref<!tpu.dma_semaphore, #tpu.memory_space<semaphore_mem>>)
    %dma_start3A_14 = arith.constant 0 : i32
    %dma_start3A_15 = tpu.memref_slice %arg13[%dma_start3A_14] : memref<4096xi32, #tpu.memory_space<vmem>> -> memref<128xi32, #tpu.memory_space<vmem>>
    %dma_start3A_16 = arith.constant 0 : i32
    %dma_start3A_17 = arith.constant 0 : i32
    %dma_start3A_18 = tpu.memref_slice %arg4[%dma_start3A_16, %dma_start3A_17] : memref<4096x128xi32, #tpu.memory_space<hbm>> -> memref<4096x128xi32, #tpu.memory_space<hbm>>
    tpu.enqueue_indirect_dma source(%dma_start3A_18 : memref<4096x128xi32, #tpu.memory_space<hbm>>) target(%arg18 : memref<128x128xi32, #tpu.memory_space<vmem>>) offsets(%dma_start3A_15 : memref<128xi32, #tpu.memory_space<vmem>>) semaphore(%arg27 : memref<!tpu.dma_semaphore, #tpu.memory_space<semaphore_mem>>)
    %dma_start3A_19 = arith.constant 0 : i32
    %dma_start3A_20 = tpu.memref_slice %arg14[%dma_start3A_19] : memref<4096xi32, #tpu.memory_space<vmem>> -> memref<128xi32, #tpu.memory_space<vmem>>
    %dma_start3A_21 = arith.constant 0 : i32
    %dma_start3A_22 = arith.constant 0 : i32
    %dma_start3A_23 = tpu.memref_slice %arg5[%dma_start3A_21, %dma_start3A_22] : memref<4096x128xi32, #tpu.memory_space<hbm>> -> memref<4096x128xi32, #tpu.memory_space<hbm>>
    tpu.enqueue_indirect_dma source(%dma_start3A_23 : memref<4096x128xi32, #tpu.memory_space<hbm>>) target(%arg19 : memref<128x128xi32, #tpu.memory_space<vmem>>) offsets(%dma_start3A_20 : memref<128xi32, #tpu.memory_space<vmem>>) semaphore(%arg27 : memref<!tpu.dma_semaphore, #tpu.memory_space<semaphore_mem>>)
    %dma_start3A_24 = arith.constant 0 : i32
    %dma_start3A_25 = tpu.memref_slice %arg15[%dma_start3A_24] : memref<4096xi32, #tpu.memory_space<vmem>> -> memref<128xi32, #tpu.memory_space<vmem>>
    %dma_start3A_26 = arith.constant 0 : i32
    %dma_start3A_27 = arith.constant 0 : i32
    %dma_start3A_28 = tpu.memref_slice %arg6[%dma_start3A_26, %dma_start3A_27] : memref<4096x16xf32, #tpu.memory_space<hbm>> -> memref<4096x16xf32, #tpu.memory_space<hbm>>
    tpu.enqueue_indirect_dma source(%dma_start3A_28 : memref<4096x16xf32, #tpu.memory_space<hbm>>) target(%arg20 : memref<128x16xf32, #tpu.memory_space<vmem>>) offsets(%dma_start3A_25 : memref<128xi32, #tpu.memory_space<vmem>>) semaphore(%arg27 : memref<!tpu.dma_semaphore, #tpu.memory_space<semaphore_mem>>)
    %scan3A = arith.constant 0 : i32
    %scan3A_29 = arith.constant 16 : i32
    %scan3A_30 = arith.addi %scan3A, %scan3A_29 : i32
    %scan3A_31 = arith.constant 1 : i32
    scf.for %scan3A_33 = %scan3A to %scan3A_30 step %scan3A_31  : i32 {
      %mul3A_34 = arith.constant 2 : i32
      %mul3A_35 = arith.muli %scan3A_33, %mul3A_34 : i32
      %add3A_36 = arith.constant 0 : i32
      %add3A_37 = arith.addi %add3A_36, %mul3A_35 : i32
      %add3A_38 = arith.constant 1 : i32
      %add3A_39 = arith.addi %add3A_37, %add3A_38 : i32
      %lt3A = arith.constant 32 : i32
      %lt3A_40 = arith.cmpi slt, %add3A_39, %lt3A : i32
      %convert_element_type3A = arith.extui %lt3A_40 : i1 to i32
      %cond3A = arith.constant 0 : i32
      %cond3A_41 = arith.cmpi ne, %convert_element_type3A, %cond3A : i32
      scf.if %cond3A_41 {
        %mul3A_111 = arith.constant 128 : i32
        %mul3A_112 = arith.muli %add3A_39, %mul3A_111 : i32
        %dma_start3A_113 = tpu.memref_slice %arg12[%mul3A_112] : memref<4096xi32, #tpu.memory_space<vmem>> -> memref<128xi32, #tpu.memory_space<vmem>>
        %dma_start3A_114 = arith.constant 0 : i32
        %dma_start3A_115 = arith.constant 0 : i32
        %dma_start3A_116 = tpu.memref_slice %arg2[%dma_start3A_114, %dma_start3A_115] : memref<4096x16xi32, #tpu.memory_space<hbm>> -> memref<4096x16xi32, #tpu.memory_space<hbm>>
        tpu.enqueue_indirect_dma source(%dma_start3A_116 : memref<4096x16xi32, #tpu.memory_space<hbm>>) target(%arg21 : memref<128x16xi32, #tpu.memory_space<vmem>>) offsets(%dma_start3A_113 : memref<128xi32, #tpu.memory_space<vmem>>) semaphore(%arg28 : memref<!tpu.dma_semaphore, #tpu.memory_space<semaphore_mem>>)
        %dma_start3A_117 = tpu.memref_slice %arg13[%mul3A_112] : memref<4096xi32, #tpu.memory_space<vmem>> -> memref<128xi32, #tpu.memory_space<vmem>>
        %dma_start3A_118 = arith.constant 0 : i32
        %dma_start3A_119 = arith.constant 0 : i32
        %dma_start3A_120 = tpu.memref_slice %arg3[%dma_start3A_118, %dma_start3A_119] : memref<4096x128xi32, #tpu.memory_space<hbm>> -> memref<4096x128xi32, #tpu.memory_space<hbm>>
        tpu.enqueue_indirect_dma source(%dma_start3A_120 : memref<4096x128xi32, #tpu.memory_space<hbm>>) target(%arg22 : memref<128x128xi32, #tpu.memory_space<vmem>>) offsets(%dma_start3A_117 : memref<128xi32, #tpu.memory_space<vmem>>) semaphore(%arg28 : memref<!tpu.dma_semaphore, #tpu.memory_space<semaphore_mem>>)
        %dma_start3A_121 = tpu.memref_slice %arg13[%mul3A_112] : memref<4096xi32, #tpu.memory_space<vmem>> -> memref<128xi32, #tpu.memory_space<vmem>>
        %dma_start3A_122 = arith.constant 0 : i32
        %dma_start3A_123 = arith.constant 0 : i32
        %dma_start3A_124 = tpu.memref_slice %arg4[%dma_start3A_122, %dma_start3A_123] : memref<4096x128xi32, #tpu.memory_space<hbm>> -> memref<4096x128xi32, #tpu.memory_space<hbm>>
        tpu.enqueue_indirect_dma source(%dma_start3A_124 : memref<4096x128xi32, #tpu.memory_space<hbm>>) target(%arg23 : memref<128x128xi32, #tpu.memory_space<vmem>>) offsets(%dma_start3A_121 : memref<128xi32, #tpu.memory_space<vmem>>) semaphore(%arg28 : memref<!tpu.dma_semaphore, #tpu.memory_space<semaphore_mem>>)
        %dma_start3A_125 = tpu.memref_slice %arg14[%mul3A_112] : memref<4096xi32, #tpu.memory_space<vmem>> -> memref<128xi32, #tpu.memory_space<vmem>>
        %dma_start3A_126 = arith.constant 0 : i32
        %dma_start3A_127 = arith.constant 0 : i32
        %dma_start3A_128 = tpu.memref_slice %arg5[%dma_start3A_126, %dma_start3A_127] : memref<4096x128xi32, #tpu.memory_space<hbm>> -> memref<4096x128xi32, #tpu.memory_space<hbm>>
        tpu.enqueue_indirect_dma source(%dma_start3A_128 : memref<4096x128xi32, #tpu.memory_space<hbm>>) target(%arg24 : memref<128x128xi32, #tpu.memory_space<vmem>>) offsets(%dma_start3A_125 : memref<128xi32, #tpu.memory_space<vmem>>) semaphore(%arg28 : memref<!tpu.dma_semaphore, #tpu.memory_space<semaphore_mem>>)
        %dma_start3A_129 = tpu.memref_slice %arg15[%mul3A_112] : memref<4096xi32, #tpu.memory_space<vmem>> -> memref<128xi32, #tpu.memory_space<vmem>>
        %dma_start3A_130 = arith.constant 0 : i32
        %dma_start3A_131 = arith.constant 0 : i32
        %dma_start3A_132 = tpu.memref_slice %arg6[%dma_start3A_130, %dma_start3A_131] : memref<4096x16xf32, #tpu.memory_space<hbm>> -> memref<4096x16xf32, #tpu.memory_space<hbm>>
        tpu.enqueue_indirect_dma source(%dma_start3A_132 : memref<4096x16xf32, #tpu.memory_space<hbm>>) target(%arg25 : memref<128x16xf32, #tpu.memory_space<vmem>>) offsets(%dma_start3A_129 : memref<128xi32, #tpu.memory_space<vmem>>) semaphore(%arg28 : memref<!tpu.dma_semaphore, #tpu.memory_space<semaphore_mem>>)
      } else {
      }
      %dma_wait3A = arith.constant 0 : i32
      %dma_wait3A_42 = tpu.memref_slice %arg12[%dma_wait3A] : memref<4096xi32, #tpu.memory_space<vmem>> -> memref<128xi32, #tpu.memory_space<vmem>>
      %dma_wait3A_43 = arith.constant 0 : i32
      %dma_wait3A_44 = arith.constant 0 : i32
      %dma_wait3A_45 = tpu.memref_slice %arg2[%dma_wait3A_43, %dma_wait3A_44] : memref<4096x16xi32, #tpu.memory_space<hbm>> -> memref<4096x16xi32, #tpu.memory_space<hbm>>
      tpu.wait_indirect_dma semaphore(%arg27 : memref<!tpu.dma_semaphore, #tpu.memory_space<semaphore_mem>>) src(%dma_wait3A_45 : memref<4096x16xi32, #tpu.memory_space<hbm>>) dst(%arg16 : memref<128x16xi32, #tpu.memory_space<vmem>>)
      %dma_wait3A_46 = arith.constant 0 : i32
      %dma_wait3A_47 = tpu.memref_slice %arg13[%dma_wait3A_46] : memref<4096xi32, #tpu.memory_space<vmem>> -> memref<128xi32, #tpu.memory_space<vmem>>
      %dma_wait3A_48 = arith.constant 0 : i32
      %dma_wait3A_49 = arith.constant 0 : i32
      %dma_wait3A_50 = tpu.memref_slice %arg3[%dma_wait3A_48, %dma_wait3A_49] : memref<4096x128xi32, #tpu.memory_space<hbm>> -> memref<4096x128xi32, #tpu.memory_space<hbm>>
      tpu.wait_indirect_dma semaphore(%arg27 : memref<!tpu.dma_semaphore, #tpu.memory_space<semaphore_mem>>) src(%dma_wait3A_50 : memref<4096x128xi32, #tpu.memory_space<hbm>>) dst(%arg17 : memref<128x128xi32, #tpu.memory_space<vmem>>)
      %dma_wait3A_51 = arith.constant 0 : i32
      %dma_wait3A_52 = tpu.memref_slice %arg13[%dma_wait3A_51] : memref<4096xi32, #tpu.memory_space<vmem>> -> memref<128xi32, #tpu.memory_space<vmem>>
      %dma_wait3A_53 = arith.constant 0 : i32
      %dma_wait3A_54 = arith.constant 0 : i32
      %dma_wait3A_55 = tpu.memref_slice %arg4[%dma_wait3A_53, %dma_wait3A_54] : memref<4096x128xi32, #tpu.memory_space<hbm>> -> memref<4096x128xi32, #tpu.memory_space<hbm>>
      tpu.wait_indirect_dma semaphore(%arg27 : memref<!tpu.dma_semaphore, #tpu.memory_space<semaphore_mem>>) src(%dma_wait3A_55 : memref<4096x128xi32, #tpu.memory_space<hbm>>) dst(%arg18 : memref<128x128xi32, #tpu.memory_space<vmem>>)
      %dma_wait3A_56 = arith.constant 0 : i32
      %dma_wait3A_57 = tpu.memref_slice %arg14[%dma_wait3A_56] : memref<4096xi32, #tpu.memory_space<vmem>> -> memref<128xi32, #tpu.memory_space<vmem>>
      %dma_wait3A_58 = arith.constant 0 : i32
      %dma_wait3A_59 = arith.constant 0 : i32
      %dma_wait3A_60 = tpu.memref_slice %arg5[%dma_wait3A_58, %dma_wait3A_59] : memref<4096x128xi32, #tpu.memory_space<hbm>> -> memref<4096x128xi32, #tpu.memory_space<hbm>>
      tpu.wait_indirect_dma semaphore(%arg27 : memref<!tpu.dma_semaphore, #tpu.memory_space<semaphore_mem>>) src(%dma_wait3A_60 : memref<4096x128xi32, #tpu.memory_space<hbm>>) dst(%arg19 : memref<128x128xi32, #tpu.memory_space<vmem>>)
      %dma_wait3A_61 = arith.constant 0 : i32
      %dma_wait3A_62 = tpu.memref_slice %arg15[%dma_wait3A_61] : memref<4096xi32, #tpu.memory_space<vmem>> -> memref<128xi32, #tpu.memory_space<vmem>>
      %dma_wait3A_63 = arith.constant 0 : i32
      %dma_wait3A_64 = arith.constant 0 : i32
      %dma_wait3A_65 = tpu.memref_slice %arg6[%dma_wait3A_63, %dma_wait3A_64] : memref<4096x16xf32, #tpu.memory_space<hbm>> -> memref<4096x16xf32, #tpu.memory_space<hbm>>
      tpu.wait_indirect_dma semaphore(%arg27 : memref<!tpu.dma_semaphore, #tpu.memory_space<semaphore_mem>>) src(%dma_wait3A_65 : memref<4096x16xf32, #tpu.memory_space<hbm>>) dst(%arg20 : memref<128x16xf32, #tpu.memory_space<vmem>>)
      %parallel_loop3A = arith.constant 0 : i32
      %parallel_loop3A_66 = arith.constant 128 : i32
      %parallel_loop3A_67 = arith.constant 1 : i32
      scf.for %parallel_loop3A_111 = %parallel_loop3A to %parallel_loop3A_66 step %parallel_loop3A_67  : i32 {
        %parallel_loop3A_112 = arith.index_cast %parallel_loop3A_111 : i32 to index
        %parallel_loop3A_113 = arith.constant 0 : index
        %parallel_loop3A_114 = tpu.vector_load %arg16[%parallel_loop3A_112, %parallel_loop3A_113] {strides = array<i32>} : memref<128x16xi32, #tpu.memory_space<vmem>>, vector<16xi32>,
        %parallel_loop3A_115 = arith.index_cast %parallel_loop3A_111 : i32 to index
        %parallel_loop3A_116 = arith.constant 0 : index
        %parallel_loop3A_117 = tpu.vector_load %arg20[%parallel_loop3A_115, %parallel_loop3A_116] {strides = array<i32>} : memref<128x16xf32, #tpu.memory_space<vmem>>, vector<16xf32>,
        %parallel_loop3A_118 = arith.constant 0.000000e+00 : bf16
        %parallel_loop3A_119 = vector.broadcast %parallel_loop3A_118 : bf16 to vector<32xbf16>
        %parallel_loop3A_120 = arith.constant 0.000000e+00 : bf16
        %parallel_loop3A_121 = vector.broadcast %parallel_loop3A_120 : bf16 to vector<32xbf16>
        %parallel_loop3A_122 = arith.constant 0 : i32
        %parallel_loop3A_123 = vector.broadcast %parallel_loop3A_122 : i32 to vector<16x1xi32>
        %parallel_loop3A_124 = vector.shape_cast %parallel_loop3A_123 : vector<16x1xi32> to vector<16xi32>
        %parallel_loop3A_125 = tpu.dynamic_gather %parallel_loop3A_114[%parallel_loop3A_124] in [0] : vector<16xi32>, vector<16xi32> -> vector<16xi32>
        %parallel_loop3A_126 = vector.bitcast %parallel_loop3A_125 : vector<16xi32> to vector<32xbf16>
        %parallel_loop3A_127 = arith.index_cast %parallel_loop3A_111 : i32 to index
        %parallel_loop3A_128 = arith.constant 0 : index
        %parallel_loop3A_129 = tpu.vector_load %arg17[%parallel_loop3A_127, %parallel_loop3A_128] {strides = array<i32>} : memref<128x128xi32, #tpu.memory_space<vmem>>, vector<16xi32>,
        %parallel_loop3A_130 = vector.bitcast %parallel_loop3A_129 : vector<16xi32> to vector<32xbf16>
        %parallel_loop3A_131 = arith.mulf %parallel_loop3A_126, %parallel_loop3A_130 : vector<32xbf16>
        %parallel_loop3A_132 = arith.addf %parallel_loop3A_119, %parallel_loop3A_131 : vector<32xbf16>
        %parallel_loop3A_133 = arith.constant 1 : i32
        %parallel_loop3A_134 = vector.broadcast %parallel_loop3A_133 : i32 to vector<16x1xi32>
        %parallel_loop3A_135 = vector.shape_cast %parallel_loop3A_134 : vector<16x1xi32> to vector<16xi32>
        %parallel_loop3A_136 = tpu.dynamic_gather %parallel_loop3A_114[%parallel_loop3A_135] in [0] : vector<16xi32>, vector<16xi32> -> vector<16xi32>
        %parallel_loop3A_137 = vector.bitcast %parallel_loop3A_136 : vector<16xi32> to vector<32xbf16>
        %parallel_loop3A_138 = arith.index_cast %parallel_loop3A_111 : i32 to index
        %parallel_loop3A_139 = arith.constant 16 : index
        %parallel_loop3A_140 = tpu.vector_load %arg17[%parallel_loop3A_138, %parallel_loop3A_139] {strides = array<i32>} : memref<128x128xi32, #tpu.memory_space<vmem>>, vector<16xi32>,
        %parallel_loop3A_141 = vector.bitcast %parallel_loop3A_140 : vector<16xi32> to vector<32xbf16>
        %parallel_loop3A_142 = arith.mulf %parallel_loop3A_137, %parallel_loop3A_141 : vector<32xbf16>
        %parallel_loop3A_143 = arith.addf %parallel_loop3A_121, %parallel_loop3A_142 : vector<32xbf16>
        %parallel_loop3A_144 = arith.constant 2 : i32
        %parallel_loop3A_145 = vector.broadcast %parallel_loop3A_144 : i32 to vector<16x1xi32>
        %parallel_loop3A_146 = vector.shape_cast %parallel_loop3A_145 : vector<16x1xi32> to vector<16xi32>
        %parallel_loop3A_147 = tpu.dynamic_gather %parallel_loop3A_114[%parallel_loop3A_146] in [0] : vector<16xi32>, vector<16xi32> -> vector<16xi32>
        %parallel_loop3A_148 = vector.bitcast %parallel_loop3A_147 : vector<16xi32> to vector<32xbf16>
        %parallel_loop3A_149 = arith.index_cast %parallel_loop3A_111 : i32 to index
        %parallel_loop3A_150 = arith.constant 32 : index
        %parallel_loop3A_151 = tpu.vector_load %arg17[%parallel_loop3A_149, %parallel_loop3A_150] {strides = array<i32>} : memref<128x128xi32, #tpu.memory_space<vmem>>, vector<16xi32>,
        %parallel_loop3A_152 = vector.bitcast %parallel_loop3A_151 : vector<16xi32> to vector<32xbf16>
        %parallel_loop3A_153 = arith.mulf %parallel_loop3A_148, %parallel_loop3A_152 : vector<32xbf16>
        %parallel_loop3A_154 = arith.addf %parallel_loop3A_132, %parallel_loop3A_153 : vector<32xbf16>
        %parallel_loop3A_155 = arith.constant 3 : i32
        %parallel_loop3A_156 = vector.broadcast %parallel_loop3A_155 : i32 to vector<16x1xi32>
        %parallel_loop3A_157 = vector.shape_cast %parallel_loop3A_156 : vector<16x1xi32> to vector<16xi32>
        %parallel_loop3A_158 = tpu.dynamic_gather %parallel_loop3A_114[%parallel_loop3A_157] in [0] : vector<16xi32>, vector<16xi32> -> vector<16xi32>
        %parallel_loop3A_159 = vector.bitcast %parallel_loop3A_158 : vector<16xi32> to vector<32xbf16>
        %parallel_loop3A_160 = arith.index_cast %parallel_loop3A_111 : i32 to index
        %parallel_loop3A_161 = arith.constant 48 : index
        %parallel_loop3A_162 = tpu.vector_load %arg17[%parallel_loop3A_160, %parallel_loop3A_161] {strides = array<i32>} : memref<128x128xi32, #tpu.memory_space<vmem>>, vector<16xi32>,
        %parallel_loop3A_163 = vector.bitcast %parallel_loop3A_162 : vector<16xi32> to vector<32xbf16>
        %parallel_loop3A_164 = arith.mulf %parallel_loop3A_159, %parallel_loop3A_163 : vector<32xbf16>
        %parallel_loop3A_165 = arith.addf %parallel_loop3A_143, %parallel_loop3A_164 : vector<32xbf16>
        %parallel_loop3A_166 = arith.constant 4 : i32
        %parallel_loop3A_167 = vector.broadcast %parallel_loop3A_166 : i32 to vector<16x1xi32>
        %parallel_loop3A_168 = vector.shape_cast %parallel_loop3A_167 : vector<16x1xi32> to vector<16xi32>
        %parallel_loop3A_169 = tpu.dynamic_gather %parallel_loop3A_114[%parallel_loop3A_168] in [0] : vector<16xi32>, vector<16xi32> -> vector<16xi32>
        %parallel_loop3A_170 = vector.bitcast %parallel_loop3A_169 : vector<16xi32> to vector<32xbf16>
        %parallel_loop3A_171 = arith.index_cast %parallel_loop3A_111 : i32 to index
        %parallel_loop3A_172 = arith.constant 64 : index
        %parallel_loop3A_173 = tpu.vector_load %arg17[%parallel_loop3A_171, %parallel_loop3A_172] {strides = array<i32>} : memref<128x128xi32, #tpu.memory_space<vmem>>, vector<16xi32>,
        %parallel_loop3A_174 = vector.bitcast %parallel_loop3A_173 : vector<16xi32> to vector<32xbf16>
        %parallel_loop3A_175 = arith.mulf %parallel_loop3A_170, %parallel_loop3A_174 : vector<32xbf16>
        %parallel_loop3A_176 = arith.addf %parallel_loop3A_154, %parallel_loop3A_175 : vector<32xbf16>
        %parallel_loop3A_177 = arith.constant 5 : i32
        %parallel_loop3A_178 = vector.broadcast %parallel_loop3A_177 : i32 to vector<16x1xi32>
        %parallel_loop3A_179 = vector.shape_cast %parallel_loop3A_178 : vector<16x1xi32> to vector<16xi32>
        %parallel_loop3A_180 = tpu.dynamic_gather %parallel_loop3A_114[%parallel_loop3A_179] in [0] : vector<16xi32>, vector<16xi32> -> vector<16xi32>
        %parallel_loop3A_181 = vector.bitcast %parallel_loop3A_180 : vector<16xi32> to vector<32xbf16>
        %parallel_loop3A_182 = arith.index_cast %parallel_loop3A_111 : i32 to index
        %parallel_loop3A_183 = arith.constant 80 : index
        %parallel_loop3A_184 = tpu.vector_load %arg17[%parallel_loop3A_182, %parallel_loop3A_183] {strides = array<i32>} : memref<128x128xi32, #tpu.memory_space<vmem>>, vector<16xi32>,
        %parallel_loop3A_185 = vector.bitcast %parallel_loop3A_184 : vector<16xi32> to vector<32xbf16>
        %parallel_loop3A_186 = arith.mulf %parallel_loop3A_181, %parallel_loop3A_185 : vector<32xbf16>
        %parallel_loop3A_187 = arith.addf %parallel_loop3A_165, %parallel_loop3A_186 : vector<32xbf16>
        %parallel_loop3A_188 = arith.constant 6 : i32
        %parallel_loop3A_189 = vector.broadcast %parallel_loop3A_188 : i32 to vector<16x1xi32>
        %parallel_loop3A_190 = vector.shape_cast %parallel_loop3A_189 : vector<16x1xi32> to vector<16xi32>
        %parallel_loop3A_191 = tpu.dynamic_gather %parallel_loop3A_114[%parallel_loop3A_190] in [0] : vector<16xi32>, vector<16xi32> -> vector<16xi32>
        %parallel_loop3A_192 = vector.bitcast %parallel_loop3A_191 : vector<16xi32> to vector<32xbf16>
        %parallel_loop3A_193 = arith.index_cast %parallel_loop3A_111 : i32 to index
        %parallel_loop3A_194 = arith.constant 96 : index
        %parallel_loop3A_195 = tpu.vector_load %arg17[%parallel_loop3A_193, %parallel_loop3A_194] {strides = array<i32>} : memref<128x128xi32, #tpu.memory_space<vmem>>, vector<16xi32>,
        %parallel_loop3A_196 = vector.bitcast %parallel_loop3A_195 : vector<16xi32> to vector<32xbf16>
        %parallel_loop3A_197 = arith.mulf %parallel_loop3A_192, %parallel_loop3A_196 : vector<32xbf16>
        %parallel_loop3A_198 = arith.addf %parallel_loop3A_176, %parallel_loop3A_197 : vector<32xbf16>
        %parallel_loop3A_199 = arith.constant 7 : i32
        %parallel_loop3A_200 = vector.broadcast %parallel_loop3A_199 : i32 to vector<16x1xi32>
        %parallel_loop3A_201 = vector.shape_cast %parallel_loop3A_200 : vector<16x1xi32> to vector<16xi32>
        %parallel_loop3A_202 = tpu.dynamic_gather %parallel_loop3A_114[%parallel_loop3A_201] in [0] : vector<16xi32>, vector<16xi32> -> vector<16xi32>
        %parallel_loop3A_203 = vector.bitcast %parallel_loop3A_202 : vector<16xi32> to vector<32xbf16>
        %parallel_loop3A_204 = arith.index_cast %parallel_loop3A_111 : i32 to index
        %parallel_loop3A_205 = arith.constant 112 : index
        %parallel_loop3A_206 = tpu.vector_load %arg17[%parallel_loop3A_204, %parallel_loop3A_205] {strides = array<i32>} : memref<128x128xi32, #tpu.memory_space<vmem>>, vector<16xi32>,
        %parallel_loop3A_207 = vector.bitcast %parallel_loop3A_206 : vector<16xi32> to vector<32xbf16>
        %parallel_loop3A_208 = arith.mulf %parallel_loop3A_203, %parallel_loop3A_207 : vector<32xbf16>
        %parallel_loop3A_209 = arith.addf %parallel_loop3A_187, %parallel_loop3A_208 : vector<32xbf16>
        %parallel_loop3A_210 = arith.constant 8 : i32
        %parallel_loop3A_211 = vector.broadcast %parallel_loop3A_210 : i32 to vector<16x1xi32>
        %parallel_loop3A_212 = vector.shape_cast %parallel_loop3A_211 : vector<16x1xi32> to vector<16xi32>
        %parallel_loop3A_213 = tpu.dynamic_gather %parallel_loop3A_114[%parallel_loop3A_212] in [0] : vector<16xi32>, vector<16xi32> -> vector<16xi32>
        %parallel_loop3A_214 = vector.bitcast %parallel_loop3A_213 : vector<16xi32> to vector<32xbf16>
        %parallel_loop3A_215 = arith.index_cast %parallel_loop3A_111 : i32 to index
        %parallel_loop3A_216 = arith.constant 0 : index
        %parallel_loop3A_217 = tpu.vector_load %arg18[%parallel_loop3A_215, %parallel_loop3A_216] {strides = array<i32>} : memref<128x128xi32, #tpu.memory_space<vmem>>, vector<16xi32>,
        %parallel_loop3A_218 = vector.bitcast %parallel_loop3A_217 : vector<16xi32> to vector<32xbf16>
        %parallel_loop3A_219 = arith.mulf %parallel_loop3A_214, %parallel_loop3A_218 : vector<32xbf16>
        %parallel_loop3A_220 = arith.addf %parallel_loop3A_198, %parallel_loop3A_219 : vector<32xbf16>
        %parallel_loop3A_221 = arith.constant 9 : i32
        %parallel_loop3A_222 = vector.broadcast %parallel_loop3A_221 : i32 to vector<16x1xi32>
        %parallel_loop3A_223 = vector.shape_cast %parallel_loop3A_222 : vector<16x1xi32> to vector<16xi32>
        %parallel_loop3A_224 = tpu.dynamic_gather %parallel_loop3A_114[%parallel_loop3A_223] in [0] : vector<16xi32>, vector<16xi32> -> vector<16xi32>
        %parallel_loop3A_225 = vector.bitcast %parallel_loop3A_224 : vector<16xi32> to vector<32xbf16>
        %parallel_loop3A_226 = arith.index_cast %parallel_loop3A_111 : i32 to index
        %parallel_loop3A_227 = arith.constant 16 : index
        %parallel_loop3A_228 = tpu.vector_load %arg18[%parallel_loop3A_226, %parallel_loop3A_227] {strides = array<i32>} : memref<128x128xi32, #tpu.memory_space<vmem>>, vector<16xi32>,
        %parallel_loop3A_229 = vector.bitcast %parallel_loop3A_228 : vector<16xi32> to vector<32xbf16>
        %parallel_loop3A_230 = arith.mulf %parallel_loop3A_225, %parallel_loop3A_229 : vector<32xbf16>
        %parallel_loop3A_231 = arith.addf %parallel_loop3A_209, %parallel_loop3A_230 : vector<32xbf16>
        %parallel_loop3A_232 = arith.constant 10 : i32
        %parallel_loop3A_233 = vector.broadcast %parallel_loop3A_232 : i32 to vector<16x1xi32>
        %parallel_loop3A_234 = vector.shape_cast %parallel_loop3A_233 : vector<16x1xi32> to vector<16xi32>
        %parallel_loop3A_235 = tpu.dynamic_gather %parallel_loop3A_114[%parallel_loop3A_234] in [0] : vector<16xi32>, vector<16xi32> -> vector<16xi32>
        %parallel_loop3A_236 = vector.bitcast %parallel_loop3A_235 : vector<16xi32> to vector<32xbf16>
        %parallel_loop3A_237 = arith.index_cast %parallel_loop3A_111 : i32 to index
        %parallel_loop3A_238 = arith.constant 32 : index
        %parallel_loop3A_239 = tpu.vector_load %arg18[%parallel_loop3A_237, %parallel_loop3A_238] {strides = array<i32>} : memref<128x128xi32, #tpu.memory_space<vmem>>, vector<16xi32>,
        %parallel_loop3A_240 = vector.bitcast %parallel_loop3A_239 : vector<16xi32> to vector<32xbf16>
        %parallel_loop3A_241 = arith.mulf %parallel_loop3A_236, %parallel_loop3A_240 : vector<32xbf16>
        %parallel_loop3A_242 = arith.addf %parallel_loop3A_220, %parallel_loop3A_241 : vector<32xbf16>
        %parallel_loop3A_243 = arith.constant 11 : i32
        %parallel_loop3A_244 = vector.broadcast %parallel_loop3A_243 : i32 to vector<16x1xi32>
        %parallel_loop3A_245 = vector.shape_cast %parallel_loop3A_244 : vector<16x1xi32> to vector<16xi32>
        %parallel_loop3A_246 = tpu.dynamic_gather %parallel_loop3A_114[%parallel_loop3A_245] in [0] : vector<16xi32>, vector<16xi32> -> vector<16xi32>
        %parallel_loop3A_247 = vector.bitcast %parallel_loop3A_246 : vector<16xi32> to vector<32xbf16>
        %parallel_loop3A_248 = arith.index_cast %parallel_loop3A_111 : i32 to index
        %parallel_loop3A_249 = arith.constant 48 : index
        %parallel_loop3A_250 = tpu.vector_load %arg18[%parallel_loop3A_248, %parallel_loop3A_249] {strides = array<i32>} : memref<128x128xi32, #tpu.memory_space<vmem>>, vector<16xi32>,
        %parallel_loop3A_251 = vector.bitcast %parallel_loop3A_250 : vector<16xi32> to vector<32xbf16>
        %parallel_loop3A_252 = arith.mulf %parallel_loop3A_247, %parallel_loop3A_251 : vector<32xbf16>
        %parallel_loop3A_253 = arith.addf %parallel_loop3A_231, %parallel_loop3A_252 : vector<32xbf16>
        %parallel_loop3A_254 = arith.constant 12 : i32
        %parallel_loop3A_255 = vector.broadcast %parallel_loop3A_254 : i32 to vector<16x1xi32>
        %parallel_loop3A_256 = vector.shape_cast %parallel_loop3A_255 : vector<16x1xi32> to vector<16xi32>
        %parallel_loop3A_257 = tpu.dynamic_gather %parallel_loop3A_114[%parallel_loop3A_256] in [0] : vector<16xi32>, vector<16xi32> -> vector<16xi32>
        %parallel_loop3A_258 = vector.bitcast %parallel_loop3A_257 : vector<16xi32> to vector<32xbf16>
        %parallel_loop3A_259 = arith.index_cast %parallel_loop3A_111 : i32 to index
        %parallel_loop3A_260 = arith.constant 64 : index
        %parallel_loop3A_261 = tpu.vector_load %arg18[%parallel_loop3A_259, %parallel_loop3A_260] {strides = array<i32>} : memref<128x128xi32, #tpu.memory_space<vmem>>, vector<16xi32>,
        %parallel_loop3A_262 = vector.bitcast %parallel_loop3A_261 : vector<16xi32> to vector<32xbf16>
        %parallel_loop3A_263 = arith.mulf %parallel_loop3A_258, %parallel_loop3A_262 : vector<32xbf16>
        %parallel_loop3A_264 = arith.addf %parallel_loop3A_242, %parallel_loop3A_263 : vector<32xbf16>
        %parallel_loop3A_265 = arith.constant 13 : i32
        %parallel_loop3A_266 = vector.broadcast %parallel_loop3A_265 : i32 to vector<16x1xi32>
        %parallel_loop3A_267 = vector.shape_cast %parallel_loop3A_266 : vector<16x1xi32> to vector<16xi32>
        %parallel_loop3A_268 = tpu.dynamic_gather %parallel_loop3A_114[%parallel_loop3A_267] in [0] : vector<16xi32>, vector<16xi32> -> vector<16xi32>
        %parallel_loop3A_269 = vector.bitcast %parallel_loop3A_268 : vector<16xi32> to vector<32xbf16>
        %parallel_loop3A_270 = arith.index_cast %parallel_loop3A_111 : i32 to index
        %parallel_loop3A_271 = arith.constant 80 : index
        %parallel_loop3A_272 = tpu.vector_load %arg18[%parallel_loop3A_270, %parallel_loop3A_271] {strides = array<i32>} : memref<128x128xi32, #tpu.memory_space<vmem>>, vector<16xi32>,
        %parallel_loop3A_273 = vector.bitcast %parallel_loop3A_272 : vector<16xi32> to vector<32xbf16>
        %parallel_loop3A_274 = arith.mulf %parallel_loop3A_269, %parallel_loop3A_273 : vector<32xbf16>
        %parallel_loop3A_275 = arith.addf %parallel_loop3A_253, %parallel_loop3A_274 : vector<32xbf16>
        %parallel_loop3A_276 = arith.constant 14 : i32
        %parallel_loop3A_277 = vector.broadcast %parallel_loop3A_276 : i32 to vector<16x1xi32>
        %parallel_loop3A_278 = vector.shape_cast %parallel_loop3A_277 : vector<16x1xi32> to vector<16xi32>
        %parallel_loop3A_279 = tpu.dynamic_gather %parallel_loop3A_114[%parallel_loop3A_278] in [0] : vector<16xi32>, vector<16xi32> -> vector<16xi32>
        %parallel_loop3A_280 = vector.bitcast %parallel_loop3A_279 : vector<16xi32> to vector<32xbf16>
        %parallel_loop3A_281 = arith.index_cast %parallel_loop3A_111 : i32 to index
        %parallel_loop3A_282 = arith.constant 96 : index
        %parallel_loop3A_283 = tpu.vector_load %arg18[%parallel_loop3A_281, %parallel_loop3A_282] {strides = array<i32>} : memref<128x128xi32, #tpu.memory_space<vmem>>, vector<16xi32>,
        %parallel_loop3A_284 = vector.bitcast %parallel_loop3A_283 : vector<16xi32> to vector<32xbf16>
        %parallel_loop3A_285 = arith.mulf %parallel_loop3A_280, %parallel_loop3A_284 : vector<32xbf16>
        %parallel_loop3A_286 = arith.addf %parallel_loop3A_264, %parallel_loop3A_285 : vector<32xbf16>
        %parallel_loop3A_287 = arith.constant 15 : i32
        %parallel_loop3A_288 = vector.broadcast %parallel_loop3A_287 : i32 to vector<16x1xi32>
        %parallel_loop3A_289 = vector.shape_cast %parallel_loop3A_288 : vector<16x1xi32> to vector<16xi32>
        %parallel_loop3A_290 = tpu.dynamic_gather %parallel_loop3A_114[%parallel_loop3A_289] in [0] : vector<16xi32>, vector<16xi32> -> vector<16xi32>
        %parallel_loop3A_291 = vector.bitcast %parallel_loop3A_290 : vector<16xi32> to vector<32xbf16>
        %parallel_loop3A_292 = arith.index_cast %parallel_loop3A_111 : i32 to index
        %parallel_loop3A_293 = arith.constant 112 : index
        %parallel_loop3A_294 = tpu.vector_load %arg18[%parallel_loop3A_292, %parallel_loop3A_293] {strides = array<i32>} : memref<128x128xi32, #tpu.memory_space<vmem>>, vector<16xi32>,
        %parallel_loop3A_295 = vector.bitcast %parallel_loop3A_294 : vector<16xi32> to vector<32xbf16>
        %parallel_loop3A_296 = arith.mulf %parallel_loop3A_291, %parallel_loop3A_295 : vector<32xbf16>
        %parallel_loop3A_297 = arith.addf %parallel_loop3A_275, %parallel_loop3A_296 : vector<32xbf16>
        %parallel_loop3A_298 = arith.addf %parallel_loop3A_286, %parallel_loop3A_297 : vector<32xbf16>
        %parallel_loop3A_299 = tpu.unpack_subelements %parallel_loop3A_298, 0 {pack_format = #tpu.pack_format<interleaved>} : vector<32xbf16> -> vector<16xf32>
        %parallel_loop3A_300 = tpu.unpack_subelements %parallel_loop3A_298, 1 {pack_format = #tpu.pack_format<interleaved>} : vector<32xbf16> -> vector<16xf32>
        %parallel_loop3A_301 = arith.constant 0.000000e+00 : f32
        %parallel_loop3A_302 = vector.broadcast %parallel_loop3A_301 : f32 to vector<16xf32>
        %parallel_loop3A_303 = arith.constant 0.000000e+00 : f32
        %parallel_loop3A_304 = vector.broadcast %parallel_loop3A_303 : f32 to vector<16xf32>
        %parallel_loop3A_305 = arith.constant 0.000000e+00 : f32
        %parallel_loop3A_306 = vector.broadcast %parallel_loop3A_305 : f32 to vector<16xf32>
        %parallel_loop3A_307 = arith.constant 0.000000e+00 : f32
        %parallel_loop3A_308 = vector.broadcast %parallel_loop3A_307 : f32 to vector<16xf32>
        %parallel_loop3A_309 = arith.index_cast %parallel_loop3A_111 : i32 to index
        %parallel_loop3A_310 = arith.constant 0 : index
        %parallel_loop3A_311 = tpu.vector_load %arg19[%parallel_loop3A_309, %parallel_loop3A_310] {strides = array<i32>} : memref<128x128xi32, #tpu.memory_space<vmem>>, vector<16xi32>,
        %parallel_loop3A_312 = vector.bitcast %parallel_loop3A_311 : vector<16xi32> to vector<32xbf16>
        %parallel_loop3A_313 = tpu.unpack_subelements %parallel_loop3A_312, 0 {pack_format = #tpu.pack_format<interleaved>} : vector<32xbf16> -> vector<16xf32>
        %parallel_loop3A_314 = tpu.unpack_subelements %parallel_loop3A_312, 1 {pack_format = #tpu.pack_format<interleaved>} : vector<32xbf16> -> vector<16xf32>
        %parallel_loop3A_315 = arith.mulf %parallel_loop3A_299, %parallel_loop3A_313 : vector<16xf32>
        %parallel_loop3A_316 = arith.addf %parallel_loop3A_306, %parallel_loop3A_315 : vector<16xf32>
        %parallel_loop3A_317 = arith.mulf %parallel_loop3A_299, %parallel_loop3A_314 : vector<16xf32>
        %parallel_loop3A_318 = arith.addf %parallel_loop3A_308, %parallel_loop3A_317 : vector<16xf32>
        %parallel_loop3A_319 = arith.index_cast %parallel_loop3A_111 : i32 to index
        %parallel_loop3A_320 = arith.constant 16 : index
        %parallel_loop3A_321 = tpu.vector_load %arg19[%parallel_loop3A_319, %parallel_loop3A_320] {strides = array<i32>} : memref<128x128xi32, #tpu.memory_space<vmem>>, vector<16xi32>,
        %parallel_loop3A_322 = vector.bitcast %parallel_loop3A_321 : vector<16xi32> to vector<32xbf16>
        %parallel_loop3A_323 = tpu.unpack_subelements %parallel_loop3A_322, 0 {pack_format = #tpu.pack_format<interleaved>} : vector<32xbf16> -> vector<16xf32>
        %parallel_loop3A_324 = tpu.unpack_subelements %parallel_loop3A_322, 1 {pack_format = #tpu.pack_format<interleaved>} : vector<32xbf16> -> vector<16xf32>
        %parallel_loop3A_325 = arith.mulf %parallel_loop3A_300, %parallel_loop3A_323 : vector<16xf32>
        %parallel_loop3A_326 = arith.addf %parallel_loop3A_316, %parallel_loop3A_325 : vector<16xf32>
        %parallel_loop3A_327 = arith.mulf %parallel_loop3A_300, %parallel_loop3A_324 : vector<16xf32>
        %parallel_loop3A_328 = arith.addf %parallel_loop3A_318, %parallel_loop3A_327 : vector<16xf32>
        %parallel_loop3A_329 = arith.constant 0 : i32
        %parallel_loop3A_330 = vector.broadcast %parallel_loop3A_329 : i32 to vector<16x1xi32>
        %parallel_loop3A_331 = vector.shape_cast %parallel_loop3A_330 : vector<16x1xi32> to vector<16xi32>
        %parallel_loop3A_332 = tpu.dynamic_gather %parallel_loop3A_117[%parallel_loop3A_331] in [0] : vector<16xf32>, vector<16xi32> -> vector<16xf32>
        %parallel_loop3A_333 = arith.constant 1 : i32
        %parallel_loop3A_334 = vector.broadcast %parallel_loop3A_333 : i32 to vector<16x1xi32>
        %parallel_loop3A_335 = vector.shape_cast %parallel_loop3A_334 : vector<16x1xi32> to vector<16xi32>
        %parallel_loop3A_336 = tpu.dynamic_gather %parallel_loop3A_117[%parallel_loop3A_335] in [0] : vector<16xf32>, vector<16xi32> -> vector<16xf32>
        %parallel_loop3A_337 = arith.mulf %parallel_loop3A_326, %parallel_loop3A_332 : vector<16xf32>
        %parallel_loop3A_338 = arith.addf %parallel_loop3A_302, %parallel_loop3A_337 : vector<16xf32>
        %parallel_loop3A_339 = arith.mulf %parallel_loop3A_328, %parallel_loop3A_336 : vector<16xf32>
        %parallel_loop3A_340 = arith.addf %parallel_loop3A_338, %parallel_loop3A_339 : vector<16xf32>
        %parallel_loop3A_341 = arith.constant 0.000000e+00 : f32
        %parallel_loop3A_342 = vector.broadcast %parallel_loop3A_341 : f32 to vector<16xf32>
        %parallel_loop3A_343 = arith.constant 0.000000e+00 : f32
        %parallel_loop3A_344 = vector.broadcast %parallel_loop3A_343 : f32 to vector<16xf32>
        %parallel_loop3A_345 = arith.index_cast %parallel_loop3A_111 : i32 to index
        %parallel_loop3A_346 = arith.constant 32 : index
        %parallel_loop3A_347 = tpu.vector_load %arg19[%parallel_loop3A_345, %parallel_loop3A_346] {strides = array<i32>} : memref<128x128xi32, #tpu.memory_space<vmem>>, vector<16xi32>,
        %parallel_loop3A_348 = vector.bitcast %parallel_loop3A_347 : vector<16xi32> to vector<32xbf16>
        %parallel_loop3A_349 = tpu.unpack_subelements %parallel_loop3A_348, 0 {pack_format = #tpu.pack_format<interleaved>} : vector<32xbf16> -> vector<16xf32>
        %parallel_loop3A_350 = tpu.unpack_subelements %parallel_loop3A_348, 1 {pack_format = #tpu.pack_format<interleaved>} : vector<32xbf16> -> vector<16xf32>
        %parallel_loop3A_351 = arith.mulf %parallel_loop3A_299, %parallel_loop3A_349 : vector<16xf32>
        %parallel_loop3A_352 = arith.addf %parallel_loop3A_342, %parallel_loop3A_351 : vector<16xf32>
        %parallel_loop3A_353 = arith.mulf %parallel_loop3A_299, %parallel_loop3A_350 : vector<16xf32>
        %parallel_loop3A_354 = arith.addf %parallel_loop3A_344, %parallel_loop3A_353 : vector<16xf32>
        %parallel_loop3A_355 = arith.index_cast %parallel_loop3A_111 : i32 to index
        %parallel_loop3A_356 = arith.constant 48 : index
        %parallel_loop3A_357 = tpu.vector_load %arg19[%parallel_loop3A_355, %parallel_loop3A_356] {strides = array<i32>} : memref<128x128xi32, #tpu.memory_space<vmem>>, vector<16xi32>,
        %parallel_loop3A_358 = vector.bitcast %parallel_loop3A_357 : vector<16xi32> to vector<32xbf16>
        %parallel_loop3A_359 = tpu.unpack_subelements %parallel_loop3A_358, 0 {pack_format = #tpu.pack_format<interleaved>} : vector<32xbf16> -> vector<16xf32>
        %parallel_loop3A_360 = tpu.unpack_subelements %parallel_loop3A_358, 1 {pack_format = #tpu.pack_format<interleaved>} : vector<32xbf16> -> vector<16xf32>
        %parallel_loop3A_361 = arith.mulf %parallel_loop3A_300, %parallel_loop3A_359 : vector<16xf32>
        %parallel_loop3A_362 = arith.addf %parallel_loop3A_352, %parallel_loop3A_361 : vector<16xf32>
        %parallel_loop3A_363 = arith.mulf %parallel_loop3A_300, %parallel_loop3A_360 : vector<16xf32>
        %parallel_loop3A_364 = arith.addf %parallel_loop3A_354, %parallel_loop3A_363 : vector<16xf32>
        %parallel_loop3A_365 = arith.constant 2 : i32
        %parallel_loop3A_366 = vector.broadcast %parallel_loop3A_365 : i32 to vector<16x1xi32>
        %parallel_loop3A_367 = vector.shape_cast %parallel_loop3A_366 : vector<16x1xi32> to vector<16xi32>
        %parallel_loop3A_368 = tpu.dynamic_gather %parallel_loop3A_117[%parallel_loop3A_367] in [0] : vector<16xf32>, vector<16xi32> -> vector<16xf32>
        %parallel_loop3A_369 = arith.constant 3 : i32
        %parallel_loop3A_370 = vector.broadcast %parallel_loop3A_369 : i32 to vector<16x1xi32>
        %parallel_loop3A_371 = vector.shape_cast %parallel_loop3A_370 : vector<16x1xi32> to vector<16xi32>
        %parallel_loop3A_372 = tpu.dynamic_gather %parallel_loop3A_117[%parallel_loop3A_371] in [0] : vector<16xf32>, vector<16xi32> -> vector<16xf32>
        %parallel_loop3A_373 = arith.mulf %parallel_loop3A_362, %parallel_loop3A_368 : vector<16xf32>
        %parallel_loop3A_374 = arith.addf %parallel_loop3A_304, %parallel_loop3A_373 : vector<16xf32>
        %parallel_loop3A_375 = arith.mulf %parallel_loop3A_364, %parallel_loop3A_372 : vector<16xf32>
        %parallel_loop3A_376 = arith.addf %parallel_loop3A_374, %parallel_loop3A_375 : vector<16xf32>
        %parallel_loop3A_377 = arith.constant 0.000000e+00 : f32
        %parallel_loop3A_378 = vector.broadcast %parallel_loop3A_377 : f32 to vector<16xf32>
        %parallel_loop3A_379 = arith.constant 0.000000e+00 : f32
        %parallel_loop3A_380 = vector.broadcast %parallel_loop3A_379 : f32 to vector<16xf32>
        %parallel_loop3A_381 = arith.index_cast %parallel_loop3A_111 : i32 to index
        %parallel_loop3A_382 = arith.constant 64 : index
        %parallel_loop3A_383 = tpu.vector_load %arg19[%parallel_loop3A_381, %parallel_loop3A_382] {strides = array<i32>} : memref<128x128xi32, #tpu.memory_space<vmem>>, vector<16xi32>,
        %parallel_loop3A_384 = vector.bitcast %parallel_loop3A_383 : vector<16xi32> to vector<32xbf16>
        %parallel_loop3A_385 = tpu.unpack_subelements %parallel_loop3A_384, 0 {pack_format = #tpu.pack_format<interleaved>} : vector<32xbf16> -> vector<16xf32>
        %parallel_loop3A_386 = tpu.unpack_subelements %parallel_loop3A_384, 1 {pack_format = #tpu.pack_format<interleaved>} : vector<32xbf16> -> vector<16xf32>
        %parallel_loop3A_387 = arith.mulf %parallel_loop3A_299, %parallel_loop3A_385 : vector<16xf32>
        %parallel_loop3A_388 = arith.addf %parallel_loop3A_378, %parallel_loop3A_387 : vector<16xf32>
        %parallel_loop3A_389 = arith.mulf %parallel_loop3A_299, %parallel_loop3A_386 : vector<16xf32>
        %parallel_loop3A_390 = arith.addf %parallel_loop3A_380, %parallel_loop3A_389 : vector<16xf32>
        %parallel_loop3A_391 = arith.index_cast %parallel_loop3A_111 : i32 to index
        %parallel_loop3A_392 = arith.constant 80 : index
        %parallel_loop3A_393 = tpu.vector_load %arg19[%parallel_loop3A_391, %parallel_loop3A_392] {strides = array<i32>} : memref<128x128xi32, #tpu.memory_space<vmem>>, vector<16xi32>,
        %parallel_loop3A_394 = vector.bitcast %parallel_loop3A_393 : vector<16xi32> to vector<32xbf16>
        %parallel_loop3A_395 = tpu.unpack_subelements %parallel_loop3A_394, 0 {pack_format = #tpu.pack_format<interleaved>} : vector<32xbf16> -> vector<16xf32>
        %parallel_loop3A_396 = tpu.unpack_subelements %parallel_loop3A_394, 1 {pack_format = #tpu.pack_format<interleaved>} : vector<32xbf16> -> vector<16xf32>
        %parallel_loop3A_397 = arith.mulf %parallel_loop3A_300, %parallel_loop3A_395 : vector<16xf32>
        %parallel_loop3A_398 = arith.addf %parallel_loop3A_388, %parallel_loop3A_397 : vector<16xf32>
        %parallel_loop3A_399 = arith.mulf %parallel_loop3A_300, %parallel_loop3A_396 : vector<16xf32>
        %parallel_loop3A_400 = arith.addf %parallel_loop3A_390, %parallel_loop3A_399 : vector<16xf32>
        %parallel_loop3A_401 = arith.constant 4 : i32
        %parallel_loop3A_402 = vector.broadcast %parallel_loop3A_401 : i32 to vector<16x1xi32>
        %parallel_loop3A_403 = vector.shape_cast %parallel_loop3A_402 : vector<16x1xi32> to vector<16xi32>
        %parallel_loop3A_404 = tpu.dynamic_gather %parallel_loop3A_117[%parallel_loop3A_403] in [0] : vector<16xf32>, vector<16xi32> -> vector<16xf32>
        %parallel_loop3A_405 = arith.constant 5 : i32
        %parallel_loop3A_406 = vector.broadcast %parallel_loop3A_405 : i32 to vector<16x1xi32>
        %parallel_loop3A_407 = vector.shape_cast %parallel_loop3A_406 : vector<16x1xi32> to vector<16xi32>
        %parallel_loop3A_408 = tpu.dynamic_gather %parallel_loop3A_117[%parallel_loop3A_407] in [0] : vector<16xf32>, vector<16xi32> -> vector<16xf32>
        %parallel_loop3A_409 = arith.mulf %parallel_loop3A_398, %parallel_loop3A_404 : vector<16xf32>
        %parallel_loop3A_410 = arith.addf %parallel_loop3A_340, %parallel_loop3A_409 : vector<16xf32>
        %parallel_loop3A_411 = arith.mulf %parallel_loop3A_400, %parallel_loop3A_408 : vector<16xf32>
        %parallel_loop3A_412 = arith.addf %parallel_loop3A_410, %parallel_loop3A_411 : vector<16xf32>
        %parallel_loop3A_413 = arith.constant 0.000000e+00 : f32
        %parallel_loop3A_414 = vector.broadcast %parallel_loop3A_413 : f32 to vector<16xf32>
        %parallel_loop3A_415 = arith.constant 0.000000e+00 : f32
        %parallel_loop3A_416 = vector.broadcast %parallel_loop3A_415 : f32 to vector<16xf32>
        %parallel_loop3A_417 = arith.index_cast %parallel_loop3A_111 : i32 to index
        %parallel_loop3A_418 = arith.constant 96 : index
        %parallel_loop3A_419 = tpu.vector_load %arg19[%parallel_loop3A_417, %parallel_loop3A_418] {strides = array<i32>} : memref<128x128xi32, #tpu.memory_space<vmem>>, vector<16xi32>,
        %parallel_loop3A_420 = vector.bitcast %parallel_loop3A_419 : vector<16xi32> to vector<32xbf16>
        %parallel_loop3A_421 = tpu.unpack_subelements %parallel_loop3A_420, 0 {pack_format = #tpu.pack_format<interleaved>} : vector<32xbf16> -> vector<16xf32>
        %parallel_loop3A_422 = tpu.unpack_subelements %parallel_loop3A_420, 1 {pack_format = #tpu.pack_format<interleaved>} : vector<32xbf16> -> vector<16xf32>
        %parallel_loop3A_423 = arith.mulf %parallel_loop3A_299, %parallel_loop3A_421 : vector<16xf32>
        %parallel_loop3A_424 = arith.addf %parallel_loop3A_414, %parallel_loop3A_423 : vector<16xf32>
        %parallel_loop3A_425 = arith.mulf %parallel_loop3A_299, %parallel_loop3A_422 : vector<16xf32>
        %parallel_loop3A_426 = arith.addf %parallel_loop3A_416, %parallel_loop3A_425 : vector<16xf32>
        %parallel_loop3A_427 = arith.index_cast %parallel_loop3A_111 : i32 to index
        %parallel_loop3A_428 = arith.constant 112 : index
        %parallel_loop3A_429 = tpu.vector_load %arg19[%parallel_loop3A_427, %parallel_loop3A_428] {strides = array<i32>} : memref<128x128xi32, #tpu.memory_space<vmem>>, vector<16xi32>,
        %parallel_loop3A_430 = vector.bitcast %parallel_loop3A_429 : vector<16xi32> to vector<32xbf16>
        %parallel_loop3A_431 = tpu.unpack_subelements %parallel_loop3A_430, 0 {pack_format = #tpu.pack_format<interleaved>} : vector<32xbf16> -> vector<16xf32>
        %parallel_loop3A_432 = tpu.unpack_subelements %parallel_loop3A_430, 1 {pack_format = #tpu.pack_format<interleaved>} : vector<32xbf16> -> vector<16xf32>
        %parallel_loop3A_433 = arith.mulf %parallel_loop3A_300, %parallel_loop3A_431 : vector<16xf32>
        %parallel_loop3A_434 = arith.addf %parallel_loop3A_424, %parallel_loop3A_433 : vector<16xf32>
        %parallel_loop3A_435 = arith.mulf %parallel_loop3A_300, %parallel_loop3A_432 : vector<16xf32>
        %parallel_loop3A_436 = arith.addf %parallel_loop3A_426, %parallel_loop3A_435 : vector<16xf32>
        %parallel_loop3A_437 = arith.constant 6 : i32
        %parallel_loop3A_438 = vector.broadcast %parallel_loop3A_437 : i32 to vector<16x1xi32>
        %parallel_loop3A_439 = vector.shape_cast %parallel_loop3A_438 : vector<16x1xi32> to vector<16xi32>
        %parallel_loop3A_440 = tpu.dynamic_gather %parallel_loop3A_117[%parallel_loop3A_439] in [0] : vector<16xf32>, vector<16xi32> -> vector<16xf32>
        %parallel_loop3A_441 = arith.constant 7 : i32
        %parallel_loop3A_442 = vector.broadcast %parallel_loop3A_441 : i32 to vector<16x1xi32>
        %parallel_loop3A_443 = vector.shape_cast %parallel_loop3A_442 : vector<16x1xi32> to vector<16xi32>
        %parallel_loop3A_444 = tpu.dynamic_gather %parallel_loop3A_117[%parallel_loop3A_443] in [0] : vector<16xf32>, vector<16xi32> -> vector<16xf32>
        %parallel_loop3A_445 = arith.mulf %parallel_loop3A_434, %parallel_loop3A_440 : vector<16xf32>
        %parallel_loop3A_446 = arith.addf %parallel_loop3A_376, %parallel_loop3A_445 : vector<16xf32>
        %parallel_loop3A_447 = arith.mulf %parallel_loop3A_436, %parallel_loop3A_444 : vector<16xf32>
        %parallel_loop3A_448 = arith.addf %parallel_loop3A_446, %parallel_loop3A_447 : vector<16xf32>
        %parallel_loop3A_449 = arith.addf %parallel_loop3A_412, %parallel_loop3A_448 : vector<16xf32>
        %parallel_loop3A_450 = arith.constant true
        %parallel_loop3A_451 = vector.broadcast %parallel_loop3A_450 : i1 to vector<16xi1>
        %parallel_loop3A_452 = tpu.scan <sum>, %parallel_loop3A_449 masked %parallel_loop3A_451 : vector<16xf32>, vector<16xi1> -> vector<16xf32>
        %parallel_loop3A_453 = vector.broadcast %parallel_loop3A_111 : i32 to vector<16xi32>
        tpu.vector_store_idx %arg26[%parallel_loop3A_453], %parallel_loop3A_452 masked %eq3A_4 : memref<128xf32, #tpu.memory_space<vmem>>[vector<16xi32>], vector<16xf32>, vector<16xi1>
      } {sc.loop_unroll_factor = 2 : i64, sc.parallel_access}
      %mul3A_68 = arith.constant 128 : i32
      %mul3A_69 = arith.muli %add3A_37, %mul3A_68 : i32
      %add3A_70 = arith.addi %mul3A_2, %mul3A_69 : i32
      "tpu.region"() ({
        %run_scoped3A = tpu.sem_alloc : memref<!tpu.dma_semaphore, #tpu.memory_space<semaphore_mem>>
        %dma_start3A_111 = tpu.memref_slice %arg11[%add3A_70] : memref<131072xf32, #tpu.memory_space<hbm>> -> memref<128xf32, #tpu.memory_space<hbm>>
        %dma_start3A_112 = tpu.memref_slice %arg11[%add3A_70] : memref<131072xf32, #tpu.memory_space<hbm>> -> memref<128xf32, #tpu.memory_space<hbm>>
        tpu.enqueue_dma source(%arg26 : memref<128xf32, #tpu.memory_space<vmem>>) target(%dma_start3A_112 : memref<128xf32, #tpu.memory_space<hbm>>) target_semaphore(%run_scoped3A : memref<!tpu.dma_semaphore, #tpu.memory_space<semaphore_mem>>)
        %dma_wait3A_113 = tpu.memref_slice %arg11[%add3A_70] : memref<131072xf32, #tpu.memory_space<hbm>> -> memref<128xf32, #tpu.memory_space<hbm>>
        %dma_wait3A_114 = tpu.memref_slice %arg11[%add3A_70] : memref<131072xf32, #tpu.memory_space<hbm>> -> memref<128xf32, #tpu.memory_space<hbm>>
        tpu.wait_dma2 semaphore(%run_scoped3A : memref<!tpu.dma_semaphore, #tpu.memory_space<semaphore_mem>>) src(%arg26 : memref<128xf32, #tpu.memory_space<vmem>>) dst(%dma_wait3A_114 : memref<128xf32, #tpu.memory_space<hbm>>)
        tpu.yield
      }) : () -> ()
      %add3A_71 = arith.constant 2 : i32
      %add3A_72 = arith.addi %add3A_37, %add3A_71 : i32
      %lt3A_73 = arith.constant 32 : i32
      %lt3A_74 = arith.cmpi slt, %add3A_72, %lt3A_73 : i32
      %convert_element_type3A_75 = arith.extui %lt3A_74 : i1 to i32
      %cond3A_76 = arith.constant 0 : i32
      %cond3A_77 = arith.cmpi ne, %convert_element_type3A_75, %cond3A_76 : i32
      scf.if %cond3A_77 {
        %mul3A_111 = arith.constant 128 : i32
        %mul3A_112 = arith.muli %add3A_72, %mul3A_111 : i32
        %dma_start3A_113 = tpu.memref_slice %arg12[%mul3A_112] : memref<4096xi32, #tpu.memory_space<vmem>> -> memref<128xi32, #tpu.memory_space<vmem>>
        %dma_start3A_114 = arith.constant 0 : i32
        %dma_start3A_115 = arith.constant 0 : i32
        %dma_start3A_116 = tpu.memref_slice %arg2[%dma_start3A_114, %dma_start3A_115] : memref<4096x16xi32, #tpu.memory_space<hbm>> -> memref<4096x16xi32, #tpu.memory_space<hbm>>
        tpu.enqueue_indirect_dma source(%dma_start3A_116 : memref<4096x16xi32, #tpu.memory_space<hbm>>) target(%arg16 : memref<128x16xi32, #tpu.memory_space<vmem>>) offsets(%dma_start3A_113 : memref<128xi32, #tpu.memory_space<vmem>>) semaphore(%arg27 : memref<!tpu.dma_semaphore, #tpu.memory_space<semaphore_mem>>)
        %dma_start3A_117 = tpu.memref_slice %arg13[%mul3A_112] : memref<4096xi32, #tpu.memory_space<vmem>> -> memref<128xi32, #tpu.memory_space<vmem>>
        %dma_start3A_118 = arith.constant 0 : i32
        %dma_start3A_119 = arith.constant 0 : i32
        %dma_start3A_120 = tpu.memref_slice %arg3[%dma_start3A_118, %dma_start3A_119] : memref<4096x128xi32, #tpu.memory_space<hbm>> -> memref<4096x128xi32, #tpu.memory_space<hbm>>
        tpu.enqueue_indirect_dma source(%dma_start3A_120 : memref<4096x128xi32, #tpu.memory_space<hbm>>) target(%arg17 : memref<128x128xi32, #tpu.memory_space<vmem>>) offsets(%dma_start3A_117 : memref<128xi32, #tpu.memory_space<vmem>>) semaphore(%arg27 : memref<!tpu.dma_semaphore, #tpu.memory_space<semaphore_mem>>)
        %dma_start3A_121 = tpu.memref_slice %arg13[%mul3A_112] : memref<4096xi32, #tpu.memory_space<vmem>> -> memref<128xi32, #tpu.memory_space<vmem>>
        %dma_start3A_122 = arith.constant 0 : i32
        %dma_start3A_123 = arith.constant 0 : i32
        %dma_start3A_124 = tpu.memref_slice %arg4[%dma_start3A_122, %dma_start3A_123] : memref<4096x128xi32, #tpu.memory_space<hbm>> -> memref<4096x128xi32, #tpu.memory_space<hbm>>
        tpu.enqueue_indirect_dma source(%dma_start3A_124 : memref<4096x128xi32, #tpu.memory_space<hbm>>) target(%arg18 : memref<128x128xi32, #tpu.memory_space<vmem>>) offsets(%dma_start3A_121 : memref<128xi32, #tpu.memory_space<vmem>>) semaphore(%arg27 : memref<!tpu.dma_semaphore, #tpu.memory_space<semaphore_mem>>)
        %dma_start3A_125 = tpu.memref_slice %arg14[%mul3A_112] : memref<4096xi32, #tpu.memory_space<vmem>> -> memref<128xi32, #tpu.memory_space<vmem>>
        %dma_start3A_126 = arith.constant 0 : i32
        %dma_start3A_127 = arith.constant 0 : i32
        %dma_start3A_128 = tpu.memref_slice %arg5[%dma_start3A_126, %dma_start3A_127] : memref<4096x128xi32, #tpu.memory_space<hbm>> -> memref<4096x128xi32, #tpu.memory_space<hbm>>
        tpu.enqueue_indirect_dma source(%dma_start3A_128 : memref<4096x128xi32, #tpu.memory_space<hbm>>) target(%arg19 : memref<128x128xi32, #tpu.memory_space<vmem>>) offsets(%dma_start3A_125 : memref<128xi32, #tpu.memory_space<vmem>>) semaphore(%arg27 : memref<!tpu.dma_semaphore, #tpu.memory_space<semaphore_mem>>)
        %dma_start3A_129 = tpu.memref_slice %arg15[%mul3A_112] : memref<4096xi32, #tpu.memory_space<vmem>> -> memref<128xi32, #tpu.memory_space<vmem>>
        %dma_start3A_130 = arith.constant 0 : i32
        %dma_start3A_131 = arith.constant 0 : i32
        %dma_start3A_132 = tpu.memref_slice %arg6[%dma_start3A_130, %dma_start3A_131] : memref<4096x16xf32, #tpu.memory_space<hbm>> -> memref<4096x16xf32, #tpu.memory_space<hbm>>
        tpu.enqueue_indirect_dma source(%dma_start3A_132 : memref<4096x16xf32, #tpu.memory_space<hbm>>) target(%arg20 : memref<128x16xf32, #tpu.memory_space<vmem>>) offsets(%dma_start3A_129 : memref<128xi32, #tpu.memory_space<vmem>>) semaphore(%arg27 : memref<!tpu.dma_semaphore, #tpu.memory_space<semaphore_mem>>)
      } else {
      }
      %dma_wait3A_78 = arith.constant 0 : i32
      %dma_wait3A_79 = tpu.memref_slice %arg12[%dma_wait3A_78] : memref<4096xi32, #tpu.memory_space<vmem>> -> memref<128xi32, #tpu.memory_space<vmem>>
      %dma_wait3A_80 = arith.constant 0 : i32
      %dma_wait3A_81 = arith.constant 0 : i32
      %dma_wait3A_82 = tpu.memref_slice %arg2[%dma_wait3A_80, %dma_wait3A_81] : memref<4096x16xi32, #tpu.memory_space<hbm>> -> memref<4096x16xi32, #tpu.memory_space<hbm>>
      tpu.wait_indirect_dma semaphore(%arg28 : memref<!tpu.dma_semaphore, #tpu.memory_space<semaphore_mem>>) src(%dma_wait3A_82 : memref<4096x16xi32, #tpu.memory_space<hbm>>) dst(%arg21 : memref<128x16xi32, #tpu.memory_space<vmem>>)
      %dma_wait3A_83 = arith.constant 0 : i32
      %dma_wait3A_84 = tpu.memref_slice %arg13[%dma_wait3A_83] : memref<4096xi32, #tpu.memory_space<vmem>> -> memref<128xi32, #tpu.memory_space<vmem>>
      %dma_wait3A_85 = arith.constant 0 : i32
      %dma_wait3A_86 = arith.constant 0 : i32
      %dma_wait3A_87 = tpu.memref_slice %arg3[%dma_wait3A_85, %dma_wait3A_86] : memref<4096x128xi32, #tpu.memory_space<hbm>> -> memref<4096x128xi32, #tpu.memory_space<hbm>>
      tpu.wait_indirect_dma semaphore(%arg28 : memref<!tpu.dma_semaphore, #tpu.memory_space<semaphore_mem>>) src(%dma_wait3A_87 : memref<4096x128xi32, #tpu.memory_space<hbm>>) dst(%arg22 : memref<128x128xi32, #tpu.memory_space<vmem>>)
      %dma_wait3A_88 = arith.constant 0 : i32
      %dma_wait3A_89 = tpu.memref_slice %arg13[%dma_wait3A_88] : memref<4096xi32, #tpu.memory_space<vmem>> -> memref<128xi32, #tpu.memory_space<vmem>>
      %dma_wait3A_90 = arith.constant 0 : i32
      %dma_wait3A_91 = arith.constant 0 : i32
      %dma_wait3A_92 = tpu.memref_slice %arg4[%dma_wait3A_90, %dma_wait3A_91] : memref<4096x128xi32, #tpu.memory_space<hbm>> -> memref<4096x128xi32, #tpu.memory_space<hbm>>
      tpu.wait_indirect_dma semaphore(%arg28 : memref<!tpu.dma_semaphore, #tpu.memory_space<semaphore_mem>>) src(%dma_wait3A_92 : memref<4096x128xi32, #tpu.memory_space<hbm>>) dst(%arg23 : memref<128x128xi32, #tpu.memory_space<vmem>>)
      %dma_wait3A_93 = arith.constant 0 : i32
      %dma_wait3A_94 = tpu.memref_slice %arg14[%dma_wait3A_93] : memref<4096xi32, #tpu.memory_space<vmem>> -> memref<128xi32, #tpu.memory_space<vmem>>
      %dma_wait3A_95 = arith.constant 0 : i32
      %dma_wait3A_96 = arith.constant 0 : i32
      %dma_wait3A_97 = tpu.memref_slice %arg5[%dma_wait3A_95, %dma_wait3A_96] : memref<4096x128xi32, #tpu.memory_space<hbm>> -> memref<4096x128xi32, #tpu.memory_space<hbm>>
      tpu.wait_indirect_dma semaphore(%arg28 : memref<!tpu.dma_semaphore, #tpu.memory_space<semaphore_mem>>) src(%dma_wait3A_97 : memref<4096x128xi32, #tpu.memory_space<hbm>>) dst(%arg24 : memref<128x128xi32, #tpu.memory_space<vmem>>)
      %dma_wait3A_98 = arith.constant 0 : i32
      %dma_wait3A_99 = tpu.memref_slice %arg15[%dma_wait3A_98] : memref<4096xi32, #tpu.memory_space<vmem>> -> memref<128xi32, #tpu.memory_space<vmem>>
      %dma_wait3A_100 = arith.constant 0 : i32
      %dma_wait3A_101 = arith.constant 0 : i32
      %dma_wait3A_102 = tpu.memref_slice %arg6[%dma_wait3A_100, %dma_wait3A_101] : memref<4096x16xf32, #tpu.memory_space<hbm>> -> memref<4096x16xf32, #tpu.memory_space<hbm>>
      tpu.wait_indirect_dma semaphore(%arg28 : memref<!tpu.dma_semaphore, #tpu.memory_space<semaphore_mem>>) src(%dma_wait3A_102 : memref<4096x16xf32, #tpu.memory_space<hbm>>) dst(%arg25 : memref<128x16xf32, #tpu.memory_space<vmem>>)
      %add3A_103 = arith.constant 1 : i32
      %add3A_104 = arith.addi %add3A_37, %add3A_103 : i32
      %parallel_loop3A_105 = arith.constant 0 : i32
      %parallel_loop3A_106 = arith.constant 128 : i32
      %parallel_loop3A_107 = arith.constant 1 : i32
      scf.for %parallel_loop3A_111 = %parallel_loop3A_105 to %parallel_loop3A_106 step %parallel_loop3A_107  : i32 {
        %parallel_loop3A_112 = arith.index_cast %parallel_loop3A_111 : i32 to index
        %parallel_loop3A_113 = arith.constant 0 : index
        %parallel_loop3A_114 = tpu.vector_load %arg21[%parallel_loop3A_112, %parallel_loop3A_113] {strides = array<i32>} : memref<128x16xi32, #tpu.memory_space<vmem>>, vector<16xi32>,
        %parallel_loop3A_115 = arith.index_cast %parallel_loop3A_111 : i32 to index
        %parallel_loop3A_116 = arith.constant 0 : index
        %parallel_loop3A_117 = tpu.vector_load %arg25[%parallel_loop3A_115, %parallel_loop3A_116] {strides = array<i32>} : memref<128x16xf32, #tpu.memory_space<vmem>>, vector<16xf32>,
        %parallel_loop3A_118 = arith.constant 0.000000e+00 : bf16
        %parallel_loop3A_119 = vector.broadcast %parallel_loop3A_118 : bf16 to vector<32xbf16>
        %parallel_loop3A_120 = arith.constant 0.000000e+00 : bf16
        %parallel_loop3A_121 = vector.broadcast %parallel_loop3A_120 : bf16 to vector<32xbf16>
        %parallel_loop3A_122 = arith.constant 0 : i32
        %parallel_loop3A_123 = vector.broadcast %parallel_loop3A_122 : i32 to vector<16x1xi32>
        %parallel_loop3A_124 = vector.shape_cast %parallel_loop3A_123 : vector<16x1xi32> to vector<16xi32>
        %parallel_loop3A_125 = tpu.dynamic_gather %parallel_loop3A_114[%parallel_loop3A_124] in [0] : vector<16xi32>, vector<16xi32> -> vector<16xi32>
        %parallel_loop3A_126 = vector.bitcast %parallel_loop3A_125 : vector<16xi32> to vector<32xbf16>
        %parallel_loop3A_127 = arith.index_cast %parallel_loop3A_111 : i32 to index
        %parallel_loop3A_128 = arith.constant 0 : index
        %parallel_loop3A_129 = tpu.vector_load %arg22[%parallel_loop3A_127, %parallel_loop3A_128] {strides = array<i32>} : memref<128x128xi32, #tpu.memory_space<vmem>>, vector<16xi32>,
        %parallel_loop3A_130 = vector.bitcast %parallel_loop3A_129 : vector<16xi32> to vector<32xbf16>
        %parallel_loop3A_131 = arith.mulf %parallel_loop3A_126, %parallel_loop3A_130 : vector<32xbf16>
        %parallel_loop3A_132 = arith.addf %parallel_loop3A_119, %parallel_loop3A_131 : vector<32xbf16>
        %parallel_loop3A_133 = arith.constant 1 : i32
        %parallel_loop3A_134 = vector.broadcast %parallel_loop3A_133 : i32 to vector<16x1xi32>
        %parallel_loop3A_135 = vector.shape_cast %parallel_loop3A_134 : vector<16x1xi32> to vector<16xi32>
        %parallel_loop3A_136 = tpu.dynamic_gather %parallel_loop3A_114[%parallel_loop3A_135] in [0] : vector<16xi32>, vector<16xi32> -> vector<16xi32>
        %parallel_loop3A_137 = vector.bitcast %parallel_loop3A_136 : vector<16xi32> to vector<32xbf16>
        %parallel_loop3A_138 = arith.index_cast %parallel_loop3A_111 : i32 to index
        %parallel_loop3A_139 = arith.constant 16 : index
        %parallel_loop3A_140 = tpu.vector_load %arg22[%parallel_loop3A_138, %parallel_loop3A_139] {strides = array<i32>} : memref<128x128xi32, #tpu.memory_space<vmem>>, vector<16xi32>,
        %parallel_loop3A_141 = vector.bitcast %parallel_loop3A_140 : vector<16xi32> to vector<32xbf16>
        %parallel_loop3A_142 = arith.mulf %parallel_loop3A_137, %parallel_loop3A_141 : vector<32xbf16>
        %parallel_loop3A_143 = arith.addf %parallel_loop3A_121, %parallel_loop3A_142 : vector<32xbf16>
        %parallel_loop3A_144 = arith.constant 2 : i32
        %parallel_loop3A_145 = vector.broadcast %parallel_loop3A_144 : i32 to vector<16x1xi32>
        %parallel_loop3A_146 = vector.shape_cast %parallel_loop3A_145 : vector<16x1xi32> to vector<16xi32>
        %parallel_loop3A_147 = tpu.dynamic_gather %parallel_loop3A_114[%parallel_loop3A_146] in [0] : vector<16xi32>, vector<16xi32> -> vector<16xi32>
        %parallel_loop3A_148 = vector.bitcast %parallel_loop3A_147 : vector<16xi32> to vector<32xbf16>
        %parallel_loop3A_149 = arith.index_cast %parallel_loop3A_111 : i32 to index
        %parallel_loop3A_150 = arith.constant 32 : index
        %parallel_loop3A_151 = tpu.vector_load %arg22[%parallel_loop3A_149, %parallel_loop3A_150] {strides = array<i32>} : memref<128x128xi32, #tpu.memory_space<vmem>>, vector<16xi32>,
        %parallel_loop3A_152 = vector.bitcast %parallel_loop3A_151 : vector<16xi32> to vector<32xbf16>
        %parallel_loop3A_153 = arith.mulf %parallel_loop3A_148, %parallel_loop3A_152 : vector<32xbf16>
        %parallel_loop3A_154 = arith.addf %parallel_loop3A_132, %parallel_loop3A_153 : vector<32xbf16>
        %parallel_loop3A_155 = arith.constant 3 : i32
        %parallel_loop3A_156 = vector.broadcast %parallel_loop3A_155 : i32 to vector<16x1xi32>
        %parallel_loop3A_157 = vector.shape_cast %parallel_loop3A_156 : vector<16x1xi32> to vector<16xi32>
        %parallel_loop3A_158 = tpu.dynamic_gather %parallel_loop3A_114[%parallel_loop3A_157] in [0] : vector<16xi32>, vector<16xi32> -> vector<16xi32>
        %parallel_loop3A_159 = vector.bitcast %parallel_loop3A_158 : vector<16xi32> to vector<32xbf16>
        %parallel_loop3A_160 = arith.index_cast %parallel_loop3A_111 : i32 to index
        %parallel_loop3A_161 = arith.constant 48 : index
        %parallel_loop3A_162 = tpu.vector_load %arg22[%parallel_loop3A_160, %parallel_loop3A_161] {strides = array<i32>} : memref<128x128xi32, #tpu.memory_space<vmem>>, vector<16xi32>,
        %parallel_loop3A_163 = vector.bitcast %parallel_loop3A_162 : vector<16xi32> to vector<32xbf16>
        %parallel_loop3A_164 = arith.mulf %parallel_loop3A_159, %parallel_loop3A_163 : vector<32xbf16>
        %parallel_loop3A_165 = arith.addf %parallel_loop3A_143, %parallel_loop3A_164 : vector<32xbf16>
        %parallel_loop3A_166 = arith.constant 4 : i32
        %parallel_loop3A_167 = vector.broadcast %parallel_loop3A_166 : i32 to vector<16x1xi32>
        %parallel_loop3A_168 = vector.shape_cast %parallel_loop3A_167 : vector<16x1xi32> to vector<16xi32>
        %parallel_loop3A_169 = tpu.dynamic_gather %parallel_loop3A_114[%parallel_loop3A_168] in [0] : vector<16xi32>, vector<16xi32> -> vector<16xi32>
        %parallel_loop3A_170 = vector.bitcast %parallel_loop3A_169 : vector<16xi32> to vector<32xbf16>
        %parallel_loop3A_171 = arith.index_cast %parallel_loop3A_111 : i32 to index
        %parallel_loop3A_172 = arith.constant 64 : index
        %parallel_loop3A_173 = tpu.vector_load %arg22[%parallel_loop3A_171, %parallel_loop3A_172] {strides = array<i32>} : memref<128x128xi32, #tpu.memory_space<vmem>>, vector<16xi32>,
        %parallel_loop3A_174 = vector.bitcast %parallel_loop3A_173 : vector<16xi32> to vector<32xbf16>
        %parallel_loop3A_175 = arith.mulf %parallel_loop3A_170, %parallel_loop3A_174 : vector<32xbf16>
        %parallel_loop3A_176 = arith.addf %parallel_loop3A_154, %parallel_loop3A_175 : vector<32xbf16>
        %parallel_loop3A_177 = arith.constant 5 : i32
        %parallel_loop3A_178 = vector.broadcast %parallel_loop3A_177 : i32 to vector<16x1xi32>
        %parallel_loop3A_179 = vector.shape_cast %parallel_loop3A_178 : vector<16x1xi32> to vector<16xi32>
        %parallel_loop3A_180 = tpu.dynamic_gather %parallel_loop3A_114[%parallel_loop3A_179] in [0] : vector<16xi32>, vector<16xi32> -> vector<16xi32>
        %parallel_loop3A_181 = vector.bitcast %parallel_loop3A_180 : vector<16xi32> to vector<32xbf16>
        %parallel_loop3A_182 = arith.index_cast %parallel_loop3A_111 : i32 to index
        %parallel_loop3A_183 = arith.constant 80 : index
        %parallel_loop3A_184 = tpu.vector_load %arg22[%parallel_loop3A_182, %parallel_loop3A_183] {strides = array<i32>} : memref<128x128xi32, #tpu.memory_space<vmem>>, vector<16xi32>,
        %parallel_loop3A_185 = vector.bitcast %parallel_loop3A_184 : vector<16xi32> to vector<32xbf16>
        %parallel_loop3A_186 = arith.mulf %parallel_loop3A_181, %parallel_loop3A_185 : vector<32xbf16>
        %parallel_loop3A_187 = arith.addf %parallel_loop3A_165, %parallel_loop3A_186 : vector<32xbf16>
        %parallel_loop3A_188 = arith.constant 6 : i32
        %parallel_loop3A_189 = vector.broadcast %parallel_loop3A_188 : i32 to vector<16x1xi32>
        %parallel_loop3A_190 = vector.shape_cast %parallel_loop3A_189 : vector<16x1xi32> to vector<16xi32>
        %parallel_loop3A_191 = tpu.dynamic_gather %parallel_loop3A_114[%parallel_loop3A_190] in [0] : vector<16xi32>, vector<16xi32> -> vector<16xi32>
        %parallel_loop3A_192 = vector.bitcast %parallel_loop3A_191 : vector<16xi32> to vector<32xbf16>
        %parallel_loop3A_193 = arith.index_cast %parallel_loop3A_111 : i32 to index
        %parallel_loop3A_194 = arith.constant 96 : index
        %parallel_loop3A_195 = tpu.vector_load %arg22[%parallel_loop3A_193, %parallel_loop3A_194] {strides = array<i32>} : memref<128x128xi32, #tpu.memory_space<vmem>>, vector<16xi32>,
        %parallel_loop3A_196 = vector.bitcast %parallel_loop3A_195 : vector<16xi32> to vector<32xbf16>
        %parallel_loop3A_197 = arith.mulf %parallel_loop3A_192, %parallel_loop3A_196 : vector<32xbf16>
        %parallel_loop3A_198 = arith.addf %parallel_loop3A_176, %parallel_loop3A_197 : vector<32xbf16>
        %parallel_loop3A_199 = arith.constant 7 : i32
        %parallel_loop3A_200 = vector.broadcast %parallel_loop3A_199 : i32 to vector<16x1xi32>
        %parallel_loop3A_201 = vector.shape_cast %parallel_loop3A_200 : vector<16x1xi32> to vector<16xi32>
        %parallel_loop3A_202 = tpu.dynamic_gather %parallel_loop3A_114[%parallel_loop3A_201] in [0] : vector<16xi32>, vector<16xi32> -> vector<16xi32>
        %parallel_loop3A_203 = vector.bitcast %parallel_loop3A_202 : vector<16xi32> to vector<32xbf16>
        %parallel_loop3A_204 = arith.index_cast %parallel_loop3A_111 : i32 to index
        %parallel_loop3A_205 = arith.constant 112 : index
        %parallel_loop3A_206 = tpu.vector_load %arg22[%parallel_loop3A_204, %parallel_loop3A_205] {strides = array<i32>} : memref<128x128xi32, #tpu.memory_space<vmem>>, vector<16xi32>,
        %parallel_loop3A_207 = vector.bitcast %parallel_loop3A_206 : vector<16xi32> to vector<32xbf16>
        %parallel_loop3A_208 = arith.mulf %parallel_loop3A_203, %parallel_loop3A_207 : vector<32xbf16>
        %parallel_loop3A_209 = arith.addf %parallel_loop3A_187, %parallel_loop3A_208 : vector<32xbf16>
        %parallel_loop3A_210 = arith.constant 8 : i32
        %parallel_loop3A_211 = vector.broadcast %parallel_loop3A_210 : i32 to vector<16x1xi32>
        %parallel_loop3A_212 = vector.shape_cast %parallel_loop3A_211 : vector<16x1xi32> to vector<16xi32>
        %parallel_loop3A_213 = tpu.dynamic_gather %parallel_loop3A_114[%parallel_loop3A_212] in [0] : vector<16xi32>, vector<16xi32> -> vector<16xi32>
        %parallel_loop3A_214 = vector.bitcast %parallel_loop3A_213 : vector<16xi32> to vector<32xbf16>
        %parallel_loop3A_215 = arith.index_cast %parallel_loop3A_111 : i32 to index
        %parallel_loop3A_216 = arith.constant 0 : index
        %parallel_loop3A_217 = tpu.vector_load %arg23[%parallel_loop3A_215, %parallel_loop3A_216] {strides = array<i32>} : memref<128x128xi32, #tpu.memory_space<vmem>>, vector<16xi32>,
        %parallel_loop3A_218 = vector.bitcast %parallel_loop3A_217 : vector<16xi32> to vector<32xbf16>
        %parallel_loop3A_219 = arith.mulf %parallel_loop3A_214, %parallel_loop3A_218 : vector<32xbf16>
        %parallel_loop3A_220 = arith.addf %parallel_loop3A_198, %parallel_loop3A_219 : vector<32xbf16>
        %parallel_loop3A_221 = arith.constant 9 : i32
        %parallel_loop3A_222 = vector.broadcast %parallel_loop3A_221 : i32 to vector<16x1xi32>
        %parallel_loop3A_223 = vector.shape_cast %parallel_loop3A_222 : vector<16x1xi32> to vector<16xi32>
        %parallel_loop3A_224 = tpu.dynamic_gather %parallel_loop3A_114[%parallel_loop3A_223] in [0] : vector<16xi32>, vector<16xi32> -> vector<16xi32>
        %parallel_loop3A_225 = vector.bitcast %parallel_loop3A_224 : vector<16xi32> to vector<32xbf16>
        %parallel_loop3A_226 = arith.index_cast %parallel_loop3A_111 : i32 to index
        %parallel_loop3A_227 = arith.constant 16 : index
        %parallel_loop3A_228 = tpu.vector_load %arg23[%parallel_loop3A_226, %parallel_loop3A_227] {strides = array<i32>} : memref<128x128xi32, #tpu.memory_space<vmem>>, vector<16xi32>,
        %parallel_loop3A_229 = vector.bitcast %parallel_loop3A_228 : vector<16xi32> to vector<32xbf16>
        %parallel_loop3A_230 = arith.mulf %parallel_loop3A_225, %parallel_loop3A_229 : vector<32xbf16>
        %parallel_loop3A_231 = arith.addf %parallel_loop3A_209, %parallel_loop3A_230 : vector<32xbf16>
        %parallel_loop3A_232 = arith.constant 10 : i32
        %parallel_loop3A_233 = vector.broadcast %parallel_loop3A_232 : i32 to vector<16x1xi32>
        %parallel_loop3A_234 = vector.shape_cast %parallel_loop3A_233 : vector<16x1xi32> to vector<16xi32>
        %parallel_loop3A_235 = tpu.dynamic_gather %parallel_loop3A_114[%parallel_loop3A_234] in [0] : vector<16xi32>, vector<16xi32> -> vector<16xi32>
        %parallel_loop3A_236 = vector.bitcast %parallel_loop3A_235 : vector<16xi32> to vector<32xbf16>
        %parallel_loop3A_237 = arith.index_cast %parallel_loop3A_111 : i32 to index
        %parallel_loop3A_238 = arith.constant 32 : index
        %parallel_loop3A_239 = tpu.vector_load %arg23[%parallel_loop3A_237, %parallel_loop3A_238] {strides = array<i32>} : memref<128x128xi32, #tpu.memory_space<vmem>>, vector<16xi32>,
        %parallel_loop3A_240 = vector.bitcast %parallel_loop3A_239 : vector<16xi32> to vector<32xbf16>
        %parallel_loop3A_241 = arith.mulf %parallel_loop3A_236, %parallel_loop3A_240 : vector<32xbf16>
        %parallel_loop3A_242 = arith.addf %parallel_loop3A_220, %parallel_loop3A_241 : vector<32xbf16>
        %parallel_loop3A_243 = arith.constant 11 : i32
        %parallel_loop3A_244 = vector.broadcast %parallel_loop3A_243 : i32 to vector<16x1xi32>
        %parallel_loop3A_245 = vector.shape_cast %parallel_loop3A_244 : vector<16x1xi32> to vector<16xi32>
        %parallel_loop3A_246 = tpu.dynamic_gather %parallel_loop3A_114[%parallel_loop3A_245] in [0] : vector<16xi32>, vector<16xi32> -> vector<16xi32>
        %parallel_loop3A_247 = vector.bitcast %parallel_loop3A_246 : vector<16xi32> to vector<32xbf16>
        %parallel_loop3A_248 = arith.index_cast %parallel_loop3A_111 : i32 to index
        %parallel_loop3A_249 = arith.constant 48 : index
        %parallel_loop3A_250 = tpu.vector_load %arg23[%parallel_loop3A_248, %parallel_loop3A_249] {strides = array<i32>} : memref<128x128xi32, #tpu.memory_space<vmem>>, vector<16xi32>,
        %parallel_loop3A_251 = vector.bitcast %parallel_loop3A_250 : vector<16xi32> to vector<32xbf16>
        %parallel_loop3A_252 = arith.mulf %parallel_loop3A_247, %parallel_loop3A_251 : vector<32xbf16>
        %parallel_loop3A_253 = arith.addf %parallel_loop3A_231, %parallel_loop3A_252 : vector<32xbf16>
        %parallel_loop3A_254 = arith.constant 12 : i32
        %parallel_loop3A_255 = vector.broadcast %parallel_loop3A_254 : i32 to vector<16x1xi32>
        %parallel_loop3A_256 = vector.shape_cast %parallel_loop3A_255 : vector<16x1xi32> to vector<16xi32>
        %parallel_loop3A_257 = tpu.dynamic_gather %parallel_loop3A_114[%parallel_loop3A_256] in [0] : vector<16xi32>, vector<16xi32> -> vector<16xi32>
        %parallel_loop3A_258 = vector.bitcast %parallel_loop3A_257 : vector<16xi32> to vector<32xbf16>
        %parallel_loop3A_259 = arith.index_cast %parallel_loop3A_111 : i32 to index
        %parallel_loop3A_260 = arith.constant 64 : index
        %parallel_loop3A_261 = tpu.vector_load %arg23[%parallel_loop3A_259, %parallel_loop3A_260] {strides = array<i32>} : memref<128x128xi32, #tpu.memory_space<vmem>>, vector<16xi32>,
        %parallel_loop3A_262 = vector.bitcast %parallel_loop3A_261 : vector<16xi32> to vector<32xbf16>
        %parallel_loop3A_263 = arith.mulf %parallel_loop3A_258, %parallel_loop3A_262 : vector<32xbf16>
        %parallel_loop3A_264 = arith.addf %parallel_loop3A_242, %parallel_loop3A_263 : vector<32xbf16>
        %parallel_loop3A_265 = arith.constant 13 : i32
        %parallel_loop3A_266 = vector.broadcast %parallel_loop3A_265 : i32 to vector<16x1xi32>
        %parallel_loop3A_267 = vector.shape_cast %parallel_loop3A_266 : vector<16x1xi32> to vector<16xi32>
        %parallel_loop3A_268 = tpu.dynamic_gather %parallel_loop3A_114[%parallel_loop3A_267] in [0] : vector<16xi32>, vector<16xi32> -> vector<16xi32>
        %parallel_loop3A_269 = vector.bitcast %parallel_loop3A_268 : vector<16xi32> to vector<32xbf16>
        %parallel_loop3A_270 = arith.index_cast %parallel_loop3A_111 : i32 to index
        %parallel_loop3A_271 = arith.constant 80 : index
        %parallel_loop3A_272 = tpu.vector_load %arg23[%parallel_loop3A_270, %parallel_loop3A_271] {strides = array<i32>} : memref<128x128xi32, #tpu.memory_space<vmem>>, vector<16xi32>,
        %parallel_loop3A_273 = vector.bitcast %parallel_loop3A_272 : vector<16xi32> to vector<32xbf16>
        %parallel_loop3A_274 = arith.mulf %parallel_loop3A_269, %parallel_loop3A_273 : vector<32xbf16>
        %parallel_loop3A_275 = arith.addf %parallel_loop3A_253, %parallel_loop3A_274 : vector<32xbf16>
        %parallel_loop3A_276 = arith.constant 14 : i32
        %parallel_loop3A_277 = vector.broadcast %parallel_loop3A_276 : i32 to vector<16x1xi32>
        %parallel_loop3A_278 = vector.shape_cast %parallel_loop3A_277 : vector<16x1xi32> to vector<16xi32>
        %parallel_loop3A_279 = tpu.dynamic_gather %parallel_loop3A_114[%parallel_loop3A_278] in [0] : vector<16xi32>, vector<16xi32> -> vector<16xi32>
        %parallel_loop3A_280 = vector.bitcast %parallel_loop3A_279 : vector<16xi32> to vector<32xbf16>
        %parallel_loop3A_281 = arith.index_cast %parallel_loop3A_111 : i32 to index
        %parallel_loop3A_282 = arith.constant 96 : index
        %parallel_loop3A_283 = tpu.vector_load %arg23[%parallel_loop3A_281, %parallel_loop3A_282] {strides = array<i32>} : memref<128x128xi32, #tpu.memory_space<vmem>>, vector<16xi32>,
        %parallel_loop3A_284 = vector.bitcast %parallel_loop3A_283 : vector<16xi32> to vector<32xbf16>
        %parallel_loop3A_285 = arith.mulf %parallel_loop3A_280, %parallel_loop3A_284 : vector<32xbf16>
        %parallel_loop3A_286 = arith.addf %parallel_loop3A_264, %parallel_loop3A_285 : vector<32xbf16>
        %parallel_loop3A_287 = arith.constant 15 : i32
        %parallel_loop3A_288 = vector.broadcast %parallel_loop3A_287 : i32 to vector<16x1xi32>
        %parallel_loop3A_289 = vector.shape_cast %parallel_loop3A_288 : vector<16x1xi32> to vector<16xi32>
        %parallel_loop3A_290 = tpu.dynamic_gather %parallel_loop3A_114[%parallel_loop3A_289] in [0] : vector<16xi32>, vector<16xi32> -> vector<16xi32>
        %parallel_loop3A_291 = vector.bitcast %parallel_loop3A_290 : vector<16xi32> to vector<32xbf16>
        %parallel_loop3A_292 = arith.index_cast %parallel_loop3A_111 : i32 to index
        %parallel_loop3A_293 = arith.constant 112 : index
        %parallel_loop3A_294 = tpu.vector_load %arg23[%parallel_loop3A_292, %parallel_loop3A_293] {strides = array<i32>} : memref<128x128xi32, #tpu.memory_space<vmem>>, vector<16xi32>,
        %parallel_loop3A_295 = vector.bitcast %parallel_loop3A_294 : vector<16xi32> to vector<32xbf16>
        %parallel_loop3A_296 = arith.mulf %parallel_loop3A_291, %parallel_loop3A_295 : vector<32xbf16>
        %parallel_loop3A_297 = arith.addf %parallel_loop3A_275, %parallel_loop3A_296 : vector<32xbf16>
        %parallel_loop3A_298 = arith.addf %parallel_loop3A_286, %parallel_loop3A_297 : vector<32xbf16>
        %parallel_loop3A_299 = tpu.unpack_subelements %parallel_loop3A_298, 0 {pack_format = #tpu.pack_format<interleaved>} : vector<32xbf16> -> vector<16xf32>
        %parallel_loop3A_300 = tpu.unpack_subelements %parallel_loop3A_298, 1 {pack_format = #tpu.pack_format<interleaved>} : vector<32xbf16> -> vector<16xf32>
        %parallel_loop3A_301 = arith.constant 0.000000e+00 : f32
        %parallel_loop3A_302 = vector.broadcast %parallel_loop3A_301 : f32 to vector<16xf32>
        %parallel_loop3A_303 = arith.constant 0.000000e+00 : f32
        %parallel_loop3A_304 = vector.broadcast %parallel_loop3A_303 : f32 to vector<16xf32>
        %parallel_loop3A_305 = arith.constant 0.000000e+00 : f32
        %parallel_loop3A_306 = vector.broadcast %parallel_loop3A_305 : f32 to vector<16xf32>
        %parallel_loop3A_307 = arith.constant 0.000000e+00 : f32
        %parallel_loop3A_308 = vector.broadcast %parallel_loop3A_307 : f32 to vector<16xf32>
        %parallel_loop3A_309 = arith.index_cast %parallel_loop3A_111 : i32 to index
        %parallel_loop3A_310 = arith.constant 0 : index
        %parallel_loop3A_311 = tpu.vector_load %arg24[%parallel_loop3A_309, %parallel_loop3A_310] {strides = array<i32>} : memref<128x128xi32, #tpu.memory_space<vmem>>, vector<16xi32>,
        %parallel_loop3A_312 = vector.bitcast %parallel_loop3A_311 : vector<16xi32> to vector<32xbf16>
        %parallel_loop3A_313 = tpu.unpack_subelements %parallel_loop3A_312, 0 {pack_format = #tpu.pack_format<interleaved>} : vector<32xbf16> -> vector<16xf32>
        %parallel_loop3A_314 = tpu.unpack_subelements %parallel_loop3A_312, 1 {pack_format = #tpu.pack_format<interleaved>} : vector<32xbf16> -> vector<16xf32>
        %parallel_loop3A_315 = arith.mulf %parallel_loop3A_299, %parallel_loop3A_313 : vector<16xf32>
        %parallel_loop3A_316 = arith.addf %parallel_loop3A_306, %parallel_loop3A_315 : vector<16xf32>
        %parallel_loop3A_317 = arith.mulf %parallel_loop3A_299, %parallel_loop3A_314 : vector<16xf32>
        %parallel_loop3A_318 = arith.addf %parallel_loop3A_308, %parallel_loop3A_317 : vector<16xf32>
        %parallel_loop3A_319 = arith.index_cast %parallel_loop3A_111 : i32 to index
        %parallel_loop3A_320 = arith.constant 16 : index
        %parallel_loop3A_321 = tpu.vector_load %arg24[%parallel_loop3A_319, %parallel_loop3A_320] {strides = array<i32>} : memref<128x128xi32, #tpu.memory_space<vmem>>, vector<16xi32>,
        %parallel_loop3A_322 = vector.bitcast %parallel_loop3A_321 : vector<16xi32> to vector<32xbf16>
        %parallel_loop3A_323 = tpu.unpack_subelements %parallel_loop3A_322, 0 {pack_format = #tpu.pack_format<interleaved>} : vector<32xbf16> -> vector<16xf32>
        %parallel_loop3A_324 = tpu.unpack_subelements %parallel_loop3A_322, 1 {pack_format = #tpu.pack_format<interleaved>} : vector<32xbf16> -> vector<16xf32>
        %parallel_loop3A_325 = arith.mulf %parallel_loop3A_300, %parallel_loop3A_323 : vector<16xf32>
        %parallel_loop3A_326 = arith.addf %parallel_loop3A_316, %parallel_loop3A_325 : vector<16xf32>
        %parallel_loop3A_327 = arith.mulf %parallel_loop3A_300, %parallel_loop3A_324 : vector<16xf32>
        %parallel_loop3A_328 = arith.addf %parallel_loop3A_318, %parallel_loop3A_327 : vector<16xf32>
        %parallel_loop3A_329 = arith.constant 0 : i32
        %parallel_loop3A_330 = vector.broadcast %parallel_loop3A_329 : i32 to vector<16x1xi32>
        %parallel_loop3A_331 = vector.shape_cast %parallel_loop3A_330 : vector<16x1xi32> to vector<16xi32>
        %parallel_loop3A_332 = tpu.dynamic_gather %parallel_loop3A_117[%parallel_loop3A_331] in [0] : vector<16xf32>, vector<16xi32> -> vector<16xf32>
        %parallel_loop3A_333 = arith.constant 1 : i32
        %parallel_loop3A_334 = vector.broadcast %parallel_loop3A_333 : i32 to vector<16x1xi32>
        %parallel_loop3A_335 = vector.shape_cast %parallel_loop3A_334 : vector<16x1xi32> to vector<16xi32>
        %parallel_loop3A_336 = tpu.dynamic_gather %parallel_loop3A_117[%parallel_loop3A_335] in [0] : vector<16xf32>, vector<16xi32> -> vector<16xf32>
        %parallel_loop3A_337 = arith.mulf %parallel_loop3A_326, %parallel_loop3A_332 : vector<16xf32>
        %parallel_loop3A_338 = arith.addf %parallel_loop3A_302, %parallel_loop3A_337 : vector<16xf32>
        %parallel_loop3A_339 = arith.mulf %parallel_loop3A_328, %parallel_loop3A_336 : vector<16xf32>
        %parallel_loop3A_340 = arith.addf %parallel_loop3A_338, %parallel_loop3A_339 : vector<16xf32>
        %parallel_loop3A_341 = arith.constant 0.000000e+00 : f32
        %parallel_loop3A_342 = vector.broadcast %parallel_loop3A_341 : f32 to vector<16xf32>
        %parallel_loop3A_343 = arith.constant 0.000000e+00 : f32
        %parallel_loop3A_344 = vector.broadcast %parallel_loop3A_343 : f32 to vector<16xf32>
        %parallel_loop3A_345 = arith.index_cast %parallel_loop3A_111 : i32 to index
        %parallel_loop3A_346 = arith.constant 32 : index
        %parallel_loop3A_347 = tpu.vector_load %arg24[%parallel_loop3A_345, %parallel_loop3A_346] {strides = array<i32>} : memref<128x128xi32, #tpu.memory_space<vmem>>, vector<16xi32>,
        %parallel_loop3A_348 = vector.bitcast %parallel_loop3A_347 : vector<16xi32> to vector<32xbf16>
        %parallel_loop3A_349 = tpu.unpack_subelements %parallel_loop3A_348, 0 {pack_format = #tpu.pack_format<interleaved>} : vector<32xbf16> -> vector<16xf32>
        %parallel_loop3A_350 = tpu.unpack_subelements %parallel_loop3A_348, 1 {pack_format = #tpu.pack_format<interleaved>} : vector<32xbf16> -> vector<16xf32>
        %parallel_loop3A_351 = arith.mulf %parallel_loop3A_299, %parallel_loop3A_349 : vector<16xf32>
        %parallel_loop3A_352 = arith.addf %parallel_loop3A_342, %parallel_loop3A_351 : vector<16xf32>
        %parallel_loop3A_353 = arith.mulf %parallel_loop3A_299, %parallel_loop3A_350 : vector<16xf32>
        %parallel_loop3A_354 = arith.addf %parallel_loop3A_344, %parallel_loop3A_353 : vector<16xf32>
        %parallel_loop3A_355 = arith.index_cast %parallel_loop3A_111 : i32 to index
        %parallel_loop3A_356 = arith.constant 48 : index
        %parallel_loop3A_357 = tpu.vector_load %arg24[%parallel_loop3A_355, %parallel_loop3A_356] {strides = array<i32>} : memref<128x128xi32, #tpu.memory_space<vmem>>, vector<16xi32>,
        %parallel_loop3A_358 = vector.bitcast %parallel_loop3A_357 : vector<16xi32> to vector<32xbf16>
        %parallel_loop3A_359 = tpu.unpack_subelements %parallel_loop3A_358, 0 {pack_format = #tpu.pack_format<interleaved>} : vector<32xbf16> -> vector<16xf32>
        %parallel_loop3A_360 = tpu.unpack_subelements %parallel_loop3A_358, 1 {pack_format = #tpu.pack_format<interleaved>} : vector<32xbf16> -> vector<16xf32>
        %parallel_loop3A_361 = arith.mulf %parallel_loop3A_300, %parallel_loop3A_359 : vector<16xf32>
        %parallel_loop3A_362 = arith.addf %parallel_loop3A_352, %parallel_loop3A_361 : vector<16xf32>
        %parallel_loop3A_363 = arith.mulf %parallel_loop3A_300, %parallel_loop3A_360 : vector<16xf32>
        %parallel_loop3A_364 = arith.addf %parallel_loop3A_354, %parallel_loop3A_363 : vector<16xf32>
        %parallel_loop3A_365 = arith.constant 2 : i32
        %parallel_loop3A_366 = vector.broadcast %parallel_loop3A_365 : i32 to vector<16x1xi32>
        %parallel_loop3A_367 = vector.shape_cast %parallel_loop3A_366 : vector<16x1xi32> to vector<16xi32>
        %parallel_loop3A_368 = tpu.dynamic_gather %parallel_loop3A_117[%parallel_loop3A_367] in [0] : vector<16xf32>, vector<16xi32> -> vector<16xf32>
        %parallel_loop3A_369 = arith.constant 3 : i32
        %parallel_loop3A_370 = vector.broadcast %parallel_loop3A_369 : i32 to vector<16x1xi32>
        %parallel_loop3A_371 = vector.shape_cast %parallel_loop3A_370 : vector<16x1xi32> to vector<16xi32>
        %parallel_loop3A_372 = tpu.dynamic_gather %parallel_loop3A_117[%parallel_loop3A_371] in [0] : vector<16xf32>, vector<16xi32> -> vector<16xf32>
        %parallel_loop3A_373 = arith.mulf %parallel_loop3A_362, %parallel_loop3A_368 : vector<16xf32>
        %parallel_loop3A_374 = arith.addf %parallel_loop3A_304, %parallel_loop3A_373 : vector<16xf32>
        %parallel_loop3A_375 = arith.mulf %parallel_loop3A_364, %parallel_loop3A_372 : vector<16xf32>
        %parallel_loop3A_376 = arith.addf %parallel_loop3A_374, %parallel_loop3A_375 : vector<16xf32>
        %parallel_loop3A_377 = arith.constant 0.000000e+00 : f32
        %parallel_loop3A_378 = vector.broadcast %parallel_loop3A_377 : f32 to vector<16xf32>
        %parallel_loop3A_379 = arith.constant 0.000000e+00 : f32
        %parallel_loop3A_380 = vector.broadcast %parallel_loop3A_379 : f32 to vector<16xf32>
        %parallel_loop3A_381 = arith.index_cast %parallel_loop3A_111 : i32 to index
        %parallel_loop3A_382 = arith.constant 64 : index
        %parallel_loop3A_383 = tpu.vector_load %arg24[%parallel_loop3A_381, %parallel_loop3A_382] {strides = array<i32>} : memref<128x128xi32, #tpu.memory_space<vmem>>, vector<16xi32>,
        %parallel_loop3A_384 = vector.bitcast %parallel_loop3A_383 : vector<16xi32> to vector<32xbf16>
        %parallel_loop3A_385 = tpu.unpack_subelements %parallel_loop3A_384, 0 {pack_format = #tpu.pack_format<interleaved>} : vector<32xbf16> -> vector<16xf32>
        %parallel_loop3A_386 = tpu.unpack_subelements %parallel_loop3A_384, 1 {pack_format = #tpu.pack_format<interleaved>} : vector<32xbf16> -> vector<16xf32>
        %parallel_loop3A_387 = arith.mulf %parallel_loop3A_299, %parallel_loop3A_385 : vector<16xf32>
        %parallel_loop3A_388 = arith.addf %parallel_loop3A_378, %parallel_loop3A_387 : vector<16xf32>
        %parallel_loop3A_389 = arith.mulf %parallel_loop3A_299, %parallel_loop3A_386 : vector<16xf32>
        %parallel_loop3A_390 = arith.addf %parallel_loop3A_380, %parallel_loop3A_389 : vector<16xf32>
        %parallel_loop3A_391 = arith.index_cast %parallel_loop3A_111 : i32 to index
        %parallel_loop3A_392 = arith.constant 80 : index
        %parallel_loop3A_393 = tpu.vector_load %arg24[%parallel_loop3A_391, %parallel_loop3A_392] {strides = array<i32>} : memref<128x128xi32, #tpu.memory_space<vmem>>, vector<16xi32>,
        %parallel_loop3A_394 = vector.bitcast %parallel_loop3A_393 : vector<16xi32> to vector<32xbf16>
        %parallel_loop3A_395 = tpu.unpack_subelements %parallel_loop3A_394, 0 {pack_format = #tpu.pack_format<interleaved>} : vector<32xbf16> -> vector<16xf32>
        %parallel_loop3A_396 = tpu.unpack_subelements %parallel_loop3A_394, 1 {pack_format = #tpu.pack_format<interleaved>} : vector<32xbf16> -> vector<16xf32>
        %parallel_loop3A_397 = arith.mulf %parallel_loop3A_300, %parallel_loop3A_395 : vector<16xf32>
        %parallel_loop3A_398 = arith.addf %parallel_loop3A_388, %parallel_loop3A_397 : vector<16xf32>
        %parallel_loop3A_399 = arith.mulf %parallel_loop3A_300, %parallel_loop3A_396 : vector<16xf32>
        %parallel_loop3A_400 = arith.addf %parallel_loop3A_390, %parallel_loop3A_399 : vector<16xf32>
        %parallel_loop3A_401 = arith.constant 4 : i32
        %parallel_loop3A_402 = vector.broadcast %parallel_loop3A_401 : i32 to vector<16x1xi32>
        %parallel_loop3A_403 = vector.shape_cast %parallel_loop3A_402 : vector<16x1xi32> to vector<16xi32>
        %parallel_loop3A_404 = tpu.dynamic_gather %parallel_loop3A_117[%parallel_loop3A_403] in [0] : vector<16xf32>, vector<16xi32> -> vector<16xf32>
        %parallel_loop3A_405 = arith.constant 5 : i32
        %parallel_loop3A_406 = vector.broadcast %parallel_loop3A_405 : i32 to vector<16x1xi32>
        %parallel_loop3A_407 = vector.shape_cast %parallel_loop3A_406 : vector<16x1xi32> to vector<16xi32>
        %parallel_loop3A_408 = tpu.dynamic_gather %parallel_loop3A_117[%parallel_loop3A_407] in [0] : vector<16xf32>, vector<16xi32> -> vector<16xf32>
        %parallel_loop3A_409 = arith.mulf %parallel_loop3A_398, %parallel_loop3A_404 : vector<16xf32>
        %parallel_loop3A_410 = arith.addf %parallel_loop3A_340, %parallel_loop3A_409 : vector<16xf32>
        %parallel_loop3A_411 = arith.mulf %parallel_loop3A_400, %parallel_loop3A_408 : vector<16xf32>
        %parallel_loop3A_412 = arith.addf %parallel_loop3A_410, %parallel_loop3A_411 : vector<16xf32>
        %parallel_loop3A_413 = arith.constant 0.000000e+00 : f32
        %parallel_loop3A_414 = vector.broadcast %parallel_loop3A_413 : f32 to vector<16xf32>
        %parallel_loop3A_415 = arith.constant 0.000000e+00 : f32
        %parallel_loop3A_416 = vector.broadcast %parallel_loop3A_415 : f32 to vector<16xf32>
        %parallel_loop3A_417 = arith.index_cast %parallel_loop3A_111 : i32 to index
        %parallel_loop3A_418 = arith.constant 96 : index
        %parallel_loop3A_419 = tpu.vector_load %arg24[%parallel_loop3A_417, %parallel_loop3A_418] {strides = array<i32>} : memref<128x128xi32, #tpu.memory_space<vmem>>, vector<16xi32>,
        %parallel_loop3A_420 = vector.bitcast %parallel_loop3A_419 : vector<16xi32> to vector<32xbf16>
        %parallel_loop3A_421 = tpu.unpack_subelements %parallel_loop3A_420, 0 {pack_format = #tpu.pack_format<interleaved>} : vector<32xbf16> -> vector<16xf32>
        %parallel_loop3A_422 = tpu.unpack_subelements %parallel_loop3A_420, 1 {pack_format = #tpu.pack_format<interleaved>} : vector<32xbf16> -> vector<16xf32>
        %parallel_loop3A_423 = arith.mulf %parallel_loop3A_299, %parallel_loop3A_421 : vector<16xf32>
        %parallel_loop3A_424 = arith.addf %parallel_loop3A_414, %parallel_loop3A_423 : vector<16xf32>
        %parallel_loop3A_425 = arith.mulf %parallel_loop3A_299, %parallel_loop3A_422 : vector<16xf32>
        %parallel_loop3A_426 = arith.addf %parallel_loop3A_416, %parallel_loop3A_425 : vector<16xf32>
        %parallel_loop3A_427 = arith.index_cast %parallel_loop3A_111 : i32 to index
        %parallel_loop3A_428 = arith.constant 112 : index
        %parallel_loop3A_429 = tpu.vector_load %arg24[%parallel_loop3A_427, %parallel_loop3A_428] {strides = array<i32>} : memref<128x128xi32, #tpu.memory_space<vmem>>, vector<16xi32>,
        %parallel_loop3A_430 = vector.bitcast %parallel_loop3A_429 : vector<16xi32> to vector<32xbf16>
        %parallel_loop3A_431 = tpu.unpack_subelements %parallel_loop3A_430, 0 {pack_format = #tpu.pack_format<interleaved>} : vector<32xbf16> -> vector<16xf32>
        %parallel_loop3A_432 = tpu.unpack_subelements %parallel_loop3A_430, 1 {pack_format = #tpu.pack_format<interleaved>} : vector<32xbf16> -> vector<16xf32>
        %parallel_loop3A_433 = arith.mulf %parallel_loop3A_300, %parallel_loop3A_431 : vector<16xf32>
        %parallel_loop3A_434 = arith.addf %parallel_loop3A_424, %parallel_loop3A_433 : vector<16xf32>
        %parallel_loop3A_435 = arith.mulf %parallel_loop3A_300, %parallel_loop3A_432 : vector<16xf32>
        %parallel_loop3A_436 = arith.addf %parallel_loop3A_426, %parallel_loop3A_435 : vector<16xf32>
        %parallel_loop3A_437 = arith.constant 6 : i32
        %parallel_loop3A_438 = vector.broadcast %parallel_loop3A_437 : i32 to vector<16x1xi32>
        %parallel_loop3A_439 = vector.shape_cast %parallel_loop3A_438 : vector<16x1xi32> to vector<16xi32>
        %parallel_loop3A_440 = tpu.dynamic_gather %parallel_loop3A_117[%parallel_loop3A_439] in [0] : vector<16xf32>, vector<16xi32> -> vector<16xf32>
        %parallel_loop3A_441 = arith.constant 7 : i32
        %parallel_loop3A_442 = vector.broadcast %parallel_loop3A_441 : i32 to vector<16x1xi32>
        %parallel_loop3A_443 = vector.shape_cast %parallel_loop3A_442 : vector<16x1xi32> to vector<16xi32>
        %parallel_loop3A_444 = tpu.dynamic_gather %parallel_loop3A_117[%parallel_loop3A_443] in [0] : vector<16xf32>, vector<16xi32> -> vector<16xf32>
        %parallel_loop3A_445 = arith.mulf %parallel_loop3A_434, %parallel_loop3A_440 : vector<16xf32>
        %parallel_loop3A_446 = arith.addf %parallel_loop3A_376, %parallel_loop3A_445 : vector<16xf32>
        %parallel_loop3A_447 = arith.mulf %parallel_loop3A_436, %parallel_loop3A_444 : vector<16xf32>
        %parallel_loop3A_448 = arith.addf %parallel_loop3A_446, %parallel_loop3A_447 : vector<16xf32>
        %parallel_loop3A_449 = arith.addf %parallel_loop3A_412, %parallel_loop3A_448 : vector<16xf32>
        %parallel_loop3A_450 = arith.constant true
        %parallel_loop3A_451 = vector.broadcast %parallel_loop3A_450 : i1 to vector<16xi1>
        %parallel_loop3A_452 = tpu.scan <sum>, %parallel_loop3A_449 masked %parallel_loop3A_451 : vector<16xf32>, vector<16xi1> -> vector<16xf32>
        %parallel_loop3A_453 = vector.broadcast %parallel_loop3A_111 : i32 to vector<16xi32>
        tpu.vector_store_idx %arg26[%parallel_loop3A_453], %parallel_loop3A_452 masked %eq3A_4 : memref<128xf32, #tpu.memory_space<vmem>>[vector<16xi32>], vector<16xf32>, vector<16xi1>
      } {sc.loop_unroll_factor = 2 : i64, sc.parallel_access}
      %mul3A_108 = arith.constant 128 : i32
      %mul3A_109 = arith.muli %add3A_104, %mul3A_108 : i32
      %add3A_110 = arith.addi %mul3A_2, %mul3A_109 : i32
      "tpu.region"() ({
        %run_scoped3A = tpu.sem_alloc : memref<!tpu.dma_semaphore, #tpu.memory_space<semaphore_mem>>
        %dma_start3A_111 = tpu.memref_slice %arg11[%add3A_110] : memref<131072xf32, #tpu.memory_space<hbm>> -> memref<128xf32, #tpu.memory_space<hbm>>
        %dma_start3A_112 = tpu.memref_slice %arg11[%add3A_110] : memref<131072xf32, #tpu.memory_space<hbm>> -> memref<128xf32, #tpu.memory_space<hbm>>
        tpu.enqueue_dma source(%arg26 : memref<128xf32, #tpu.memory_space<vmem>>) target(%dma_start3A_112 : memref<128xf32, #tpu.memory_space<hbm>>) target_semaphore(%run_scoped3A : memref<!tpu.dma_semaphore, #tpu.memory_space<semaphore_mem>>)
        %dma_wait3A_113 = tpu.memref_slice %arg11[%add3A_110] : memref<131072xf32, #tpu.memory_space<hbm>> -> memref<128xf32, #tpu.memory_space<hbm>>
        %dma_wait3A_114 = tpu.memref_slice %arg11[%add3A_110] : memref<131072xf32, #tpu.memory_space<hbm>> -> memref<128xf32, #tpu.memory_space<hbm>>
        tpu.wait_dma2 semaphore(%run_scoped3A : memref<!tpu.dma_semaphore, #tpu.memory_space<semaphore_mem>>) src(%arg26 : memref<128xf32, #tpu.memory_space<vmem>>) dst(%dma_wait3A_114 : memref<128xf32, #tpu.memory_space<hbm>>)
        tpu.yield
      }) : () -> ()
    }
    %scan3A_32 = arith.constant 16 : i32
    return
  }
}

</mosaic_0001>

<sc_bundles>
// kernel: kernel.3.cloned.1.call-start
scs
__scs_entry_jumppad:
0x0: {  	(pc) =	sbr.rel $0x88, $3  }
0x1: {  	(tag) =	ssettag $0x0;
	lr =	simm.s32 $0x1  }
0x2: {  	[smem:$0x3F9C] =	sst lr;
	_ =	strace $0xD0000000  }
0x3: {  	_ = 	snop  }
0x4: {  	_ = 	snop  }
0x5: {  	_ = 	snop  }
0x6: {  	_ = 	snop  }
0x7: {  	_ = 	snop  }
__scs_overlays_trampoline_lowered:
0x8: {  	[smem:$0x3FAB] =	sst s0  }
0x9: {  	[smem:$0x3FAC] =	sst s1  }
0xa: {  	[smem:$0x3FAD] =	sst s2  }
0xb: {  	[smem:$0x3FAE] =	sst s3  }
0xc: {  	[smem:$0x3FAF] =	sst s4  }
0xd: {  	[smem:$0x3FB0] =	sst s5  }
0xe: {  	[smem:$0x3FB1] =	sst s6  }
0xf: {  	[smem:$0x3FB2] =	sst s7  }
0x10: {  	[smem:$0x3FB3] =	sst s8  }
0x11: {  	[smem:$0x3FB4] =	sst s9;
	s0 =	simm.s32 @!p0 $0x0  }
0x12: {  	s1 =	sld [smem:$0x3F9A];
	s0 =	simm.s32 @p0 $0x1  }
0x13: {  	[smem:$0x3FB5] =	sst s0;
	s0 =	simm.s32 @!p1 $0x0  }
0x14: {  	s2 =	sld [smem:$0x3F99];
	s0 =	simm.s32 @p1 $0x1  }
0x15: {  	[smem:$0x3FB6] =	sst s0;
	s0 =	simm.s32 @!p2 $0x0  }
0x16: {  	s3 =	sld [smem:$0x3FDB];
	s0 =	simm.s32 @p2 $0x1  }
0x17: {  	s4 =	simm.s32 $0x1BF5;
	[smem:$0x3FB8] =	sst s0  }
0x18: {  	s0 =	sld [smem:$0x3F9B];
	_ =	swait.ge [sflag:s4], $0x0  }
0x19: {  	s7 =	sld [smem:$0x3F9C]  }
0x1a: {  	s8 =	sadd.s32 $0xFFFFE003, lr  }
0x1b: {  	s9 =	sadd.s32 $0xFFFFFEF7, lr;
	s5 =	simm.s32 $0xFFFFFFFF;
	p2 =	slt.u32 s8, $0xFFFFF086  }
0x1c: {  	p1 =	slt.u32 s9, $0xF7A;
	s5 =	simm.s32 @!p2 $0x0  }
0x1d: {  	s5 =	simm.s32 @p1 $0x1;
	p0 =	seq.s32 s7, s2  }
0x1e: {  	s7 =	smul.u32 @!p0 $0xF7A, s2;
	p2 =	seq.s32 @!p0 s5, $0x0  }
0x1f: {  	s9 =	smul.u32 $0xF7A, s1;
	s8 =	simm.s32 @!p0 $0x1BF5;
	p2 =	por !p2, p0  }
0x20: {  	[sflag:s8] =	ssyncset.s32 @!p0 $0xFFFFF086;
	s6 =	sadd.s32 @!p0 s3, s7;
	s7 =	simm.s32 @!p0 $0x108  }
0x21: {  	s3 =	sadd.s32 s3, s9;
	s6 =	sadd.s32 @!p0 $0x88, s6;
	s7 =	simm.s32 @p2 $0x1082  }
0x22: {  	[simem:s7], [sflag:s8] =	dma.local @!p0 [hbm:s6], $0xF7A  }
0x23: {  	s9 =	sor.u32 $0xD0000000, s2;
	s6 =	simm.s32 $0x108;
	_ =	swait.ge @!p0 [sflag:s8], $0x0  }
0x24: {  	s3 =	sadd.s32 $0x88, s3;
	s6 =	simm.s32 @!p1 $0x1082;
	[sflag:s4] =	ssyncset.s32 $0xFFFFF086  }
0x25: {  	[simem:s6], [sflag:s4] =	dma.local [hbm:s3], $0xF7A  }
0x26: {  	[smem:$0x3F9C] =	sst s1;
	(tag) =	ssettag s2;
	_ =	strace s9  }
0x27: {  	s1 =	sld [smem:$0x3FAC]  }
0x28: {  	s2 =	sld [smem:$0x3FAD]  }
0x29: {  	s4 =	sld [smem:$0x3FAF]  }
0x2a: {  	p0 =	seq.s32 s5, $0x0;
	s5 =	sld [smem:$0x3FB0]  }
0x2b: {  	s6 =	sld [smem:$0x3FB1]  }
0x2c: {  	s7 =	sld [smem:$0x3FB2]  }
0x2d: {  	s3 =	simm.s32 $0x108;
	s8 =	sld [smem:$0x3FB3]  }
0x2e: {  	s3 =	simm.s32 @!p0 $0x1082;
	s9 =	sld [smem:$0x3FB4]  }
0x2f: {  	lr =	sadd.s32 s0, s3;
	s0 =	sld [smem:$0x3FAB]  }
0x30: {  	s3 =	sld [smem:$0x3FAE]  }
0x31: {  	[smem:$0x3FB7] =	sst s10  }
0x32: {  	s10 =	sld [smem:$0x3FB5];
	_ =	sdelay $0x3  }
0x33: {  	p0 =	seq.s32 s10, $0x1;
	s10 =	sld [smem:$0x3FB7];
	_ =	sdelay $0x3  }
0x34: {  	[smem:$0x3FB7] =	sst s10  }
0x35: {  	s10 =	sld [smem:$0x3FB6];
	_ =	sdelay $0x3  }
0x36: {  	p1 =	seq.s32 s10, $0x1;
	s10 =	sld [smem:$0x3FB7];
	_ =	sdelay $0x3  }
0x37: {  	[smem:$0x3FB7] =	sst s10  }
0x38: {  	s10 =	sld [smem:$0x3FB8]  }
0x39: {  	_ = 	snop;
	(pc) =	sbr.ind lr, $3  }
0x3a: {  	_ = 	snop  }
0x3b: {  	_ = 	snop  }
0x3c: {  	p2 =	seq.s32 s10, $0x1;
	s10 =	sld [smem:$0x3FB7]  }
0x3d: {  	_ =	shalt  }
0x3e: {  	_ =	shalt  }
0x3f: {  	_ =	shalt  }
0x40: {  	_ =	shalt  }
0x41: {  	_ =	shalt  }
0x42: {  	_ =	shalt  }
0x43: {  	_ =	shalt  }
0x44: {  	_ =	shalt  }
0x45: {  	_ =	shalt  }
0x46: {  	_ =	shalt  }
0x47: {  	_ =	shalt  }
0x48: {  	_ =	shalt  }
0x49: {  	_ =	shalt  }
0x4a: {  	_ =	shalt  }
0x4b: {  	_ =	shalt  }
0x4c: {  	_ =	shalt  }
0x4d: {  	_ =	shalt  }
0x4e: {  	_ =	shalt  }
0x4f: {  	_ =	shalt  }
0x50: {  	_ =	shalt  }
0x51: {  	_ =	shalt  }
0x52: {  	_ =	shalt  }
0x53: {  	_ =	shalt  }
0x54: {  	_ =	shalt  }
0x55: {  	_ =	shalt  }
0x56: {  	_ =	shalt  }
0x57: {  	_ =	shalt  }
0x58: {  	_ =	shalt  }
0x59: {  	_ =	shalt  }
0x5a: {  	_ =	shalt  }
0x5b: {  	_ =	shalt  }
0x5c: {  	_ =	shalt  }
0x5d: {  	_ =	shalt  }
0x5e: {  	_ =	shalt  }
0x5f: {  	_ =	shalt  }
0x60: {  	_ =	shalt  }
0x61: {  	_ =	shalt  }
0x62: {  	_ =	shalt  }
0x63: {  	_ =	shalt  }
0x64: {  	_ =	shalt  }
0x65: {  	_ =	shalt  }
0x66: {  	_ =	shalt  }
0x67: {  	_ =	shalt  }
0x68: {  	_ =	shalt  }
0x69: {  	_ =	shalt  }
0x6a: {  	_ =	shalt  }
0x6b: {  	_ =	shalt  }
0x6c: {  	_ =	shalt  }
0x6d: {  	_ =	shalt  }
0x6e: {  	_ =	shalt  }
0x6f: {  	_ =	shalt  }
0x70: {  	_ =	shalt  }
0x71: {  	_ =	shalt  }
0x72: {  	_ =	shalt  }
0x73: {  	_ =	shalt  }
0x74: {  	_ =	shalt  }
0x75: {  	_ =	shalt  }
0x76: {  	_ =	shalt  }
0x77: {  	_ =	shalt  }
0x78: {  	_ =	shalt  }
0x79: {  	_ =	shalt  }
0x7a: {  	_ =	shalt  }
0x7b: {  	_ =	shalt  }
0x7c: {  	_ =	shalt  }
0x7d: {  	_ =	shalt  }
0x7e: {  	_ =	shalt  }
0x7f: {  	_ =	shalt  }
0x80: {  	_ =	shalt  }
0x81: {  	_ =	shalt  }
0x82: {  	_ =	shalt  }
0x83: {  	_ =	shalt  }
0x84: {  	_ =	shalt  }
0x85: {  	_ =	shalt  }
0x86: {  	_ =	shalt  }
0x87: {  	_ =	shalt  }
.Lfunc_end0:
.L_simem_size_0:
called_computation_lowered:
.L_overlay_start_0:
0x88: {  	s2 =	sld [smem:$0x3FD9]  }
0x89: {  	s3 =	sld [smem:$0x3FFE];
	_ =	sdelay $0x1  }
0x8a: {  	s1 =	srdreg.scid  }
0x8b: {  	s0 =	sand.u32 $0x1, s1  }
0x8c: {  	s17 =	sshll.u32 s0, $0xA;
	s2 =	sadd.s32 s3, s2  }
0x8d: {  	s2 =	sadd.s32 s2, s17  }
0x8e: {  	[smem:$0x3FC3] =	sst s2  }
0x8f: {  	_ = 	snop  }
0x90: {  	s2 =	sld [smem:$0x3FD0];
	(tm) =	ssettm $0x1  }
0x91: {  	s18 =	sld [smem:$0x3FFB];
	_ =	sdelay $0x3  }
0x92: {  	_ =	strace s18  }
0x93: {  	s3 =	sld [smem:$0x3FFC];
	_ =	sdelay $0x3  }
0x94: {  	_ =	strace s3  }
0x95: {  	s3 =	sld [smem:$0x3FFD];
	_ =	sdelay $0x3  }
0x96: {  	_ =	strace s3  }
0x97: {  	_ =	strace $0x8FFFFFFF  }
0x98: {  	s19 =	sld [smem:$0x3FDB];
	_ =	sdelay $0x1  }
0x99: {  	s4 =	simm.s32 $_scs_section_size  }
0x9a: {  	s5 =	simm.s32 $_size__tile_overlayer_lowered;
	s6 =	simm.s32 $_tile_overlayer_lowered  }
0x9b: {  	s22 =	simm.s32 $0x1BFF;
	s21 =	sshll.u32 s6, $0x1;
	s3 =	sadd.s32 s4, s19  }
0x9c: {  	s7 =	simm.s32 $0x0;
	s20 =	sshll.u32 s5, $0x1;
	s5 =	sadd.s32 s21, s3  }
0x9d: {  	[timem:s7], [sflag:s22] =	dma.local [hbm:s5], s20  }
0x9e: {  	_ =	swait.ge [sflag:s22], s20  }
0x9f: {  	s4 =	ssub.s32 $0x0, s20;
	[sflag:s22] =	ssyncset.done $0x0  }
0xa0: {  	[sflag:s22] =	ssyncadd.s32 s4;
	_ =	sdelay $0x1  }
0xa1: {  	s23 =	simm.s32 $0x1B8B  }
0xa2: {  	_ =	swait.ge [sflag:s23], $0x1  }
0xa3: {  	[sflag:s23] =	ssyncset.done $0x0  }
0xa4: {  	s25 =	simm.s32 $0x1B8E;
	s24 =	sld [smem:$0x3FFE];
	[sflag:s23] =	ssyncadd.s32 $0xFFFFFFFF  }
0xa5: {  	s26 =	simm.s32 $execute0_lowered;
	[smem:$0x3FD2] =	sst s25  }
0xa6: {  	s5 =	sshll.u32 s26, $0x1;
	_ =	strace $0x80000046;
	[dreg:$0x1] =	wrdreg $0xFFFFFFFF  }
0xa7: {  	s28 =	simm.s32 $_size_execute0_lowered;
	s3 =	sadd.s32 s3, s5;
	[dreg:$0x0] =	wrdreg $0x0  }
0xa8: {  	s5 =	sshll.u32 s28, $0x1;
	[dreg:$0x2] =	wrdreg s3  }
0xa9: {  	[dreg:$0x3] =	wrdreg s5  }
0xaa: {  	[dreg:$0x4] =	wrdreg $0xC0  }
0xab: {  	_ =	task [dreg:s7], $0x5FFFF  }
0xac: {  	[dreg:$0x1] =	wrdreg $0xFFFFFFFF  }
0xad: {  	[dreg:$0x0] =	wrdreg $0x60  }
0xae: {  	[dreg:$0x2] =	wrdreg s24  }
0xaf: {  	[dreg:$0x3] =	wrdreg s2  }
0xb0: {  	[dreg:$0x4] =	wrdreg $0x9  }
0xb1: {  	_ =	task.clear_ibuf [dreg:s7], $0x5FFFF;
	_ =	strace $0x90000046  }
0xb2: {  	s29 =	simm.s32 $0x9;
	_ =	strace $0x80000048  }
0xb3: {  	_ =	swait.ge [sflag:s29], $0x1  }
0xb4: {  	[sflag:s29] =	ssyncadd.s32 $0xFFFFFFFF  }
0xb5: {  	_ =	strace $0x90000048  }
0xb6: {  	_ =	sfence  }
0xb7: {  	s30 =	sld [smem:$0x0];
	_ =	sdelay $0x2  }
0xb8: {  	s31 =	sshll.u32 s1, $0xD;
	s1 =	sshrl.u32 s1, $0x2  }
0xb9: {  	s3 =	sand.u32 $0x4000, s31;
	s1 =	sadd.s32 s1, s30  }
0xba: {  	s0 =	sor.u32 s3, s0;
	s1 =	sshll.u32 s1, $0x11  }
0xbb: {  	s0 =	sor.u32 s1, s0  }
0xbc: {  	s0 =	sadd.s32 $0x8F2B, s0  }
0xbd: {  	[sflag:s0] =	ssyncadd.remote.s32 $0x1  }
0xbe: {  	_ =	sfence.sel $0xFFFF  }
0xbf: {  	[dreg:$0x0] =	wrdreg $0xFFFFFFFF;
	(pc) =	sbr.abs _section_cstart, $3  }
0xc0: {  	[dreg:$0x1] =	wrdreg $0xFFFFFFFF  }
0xc1: {  	_ =	task.clear_ibuf [dreg:s7], $0x2FFFF;
	_ =	strace $0x9FFFFFFF  }
0xc2: {  	(tm) =	ssettm $0x7FFFFFFF  }
0xc3: {  	_ =	shalt  }
tec
execute0_lowered:
.L_overlay_start_1:
0x0: {  	(tag) =	ssettag $0x1  }
0x1: {  	s1 =	rddreg [dreg:$0x0]  }
0x2: {  	s2 =	rddreg [dreg:$0x1];
	s4 =	simm.s32 $0x0  }
0x3: {  	s0 =	srdreg.scid;
	s3 =	stileid.u32;
	s15 =	simm.s32 $0x3  }
0x4: {  	s16 =	simm.s32 $0x1000;
	s19 =	simm.s32 $0x80;
	s28 =	simm.s32 $0x15800  }
0x5: {  	s29 =	simm.s32 $0x19800;
	s30 =	simm.s32 $0x1D800;
	s0 =	sand.u32 $0x1, s0  }
0x6: {  	s3 =	sshll.u32 s3, $0xD;
	s7 =	sshll.u32 s0, $0xC;
	s0 =	ssub.s32 $0x2, s0  }
0x7: {  	s31 =	simm.s32 $0x1;
	s7 =	sor.u32 s7, s3;
	s10 =	sshrl.u32 s0, $0x1  }
0x8: {  	s20 =	simm.s32 $0x0;
	s3 =	sshrl.u32 s7, $0x3;
	s0 =	ssub.s32 s0, s10  }
0x9: {  	[smem:$0x7FF] =	sst s4;
	s3 =	sadd.s32 s3, s1;
	s0 =	smax.u32 s0, $0x1  }
0xa: {  	v0 =	vimm.s32 $0x0;
	v1 =	vimm.bf16 $0.0e+00;
	v2 =	vimm.s32 $0x1;
	_ =	strace $0x80000047;
	s24 =	sadd.s32 $0x40000, s3;
	[dreg:$0x7] =	wrdreg s0  }
0xb: {  	v3 =	vimm.s32 $0x2;
	v4 =	vimm.s32 $0x3;
	v5 =	vimm.s32 $0x4;
	s5 =	sadd.s32 $0x2000, s1;
	s25 =	sadd.s32 $0x3C000, s3;
	[dreg:$0x3] =	wrdreg s24  }
0xc: {  	v6 =	vimm.s32 $0x5;
	v7 =	vimm.s32 $0x6;
	v8 =	vimm.s32 $0x7;
	s6 =	sadd.s32 $0x12000, s1;
	s26 =	sadd.s32 $0x38000, s3;
	[dreg:$0x4] =	wrdreg s25  }
0xd: {  	v9 =	vimm.s32 $0x8;
	v10 =	vimm.s32 $0x9;
	v11 =	vimm.s32 $0xA;
	s8 =	sadd.s32 $0x22000, s1;
	s3 =	sadd.s32 $0x34000, s3;
	[dreg:$0x5] =	wrdreg s26  }
0xe: {  	v12 =	vimm.s32 $0xB;
	v13 =	vimm.s32 $0xC;
	v14 =	vimm.s32 $0xD;
	s9 =	sadd.s32 $0x32000, s1;
	s0 =	simm.s32 $0x1E000;
	[dreg:$0x6] =	wrdreg s3  }
0xf: {  	v15 =	vimm.s32 $0xE;
	v16 =	vimm.s32 $0xF;
	vm0 =	vcmask $0x3F3C;
	s25 =	simm.s32 $0x11000;
	s26 =	simm.s32 $0x11800;
	s3 =	simm.s32 $0x2  }
.LBB2_1:
0x10: {  	s10 =	rddreg [dreg:$0x3]  }
0x11: {  	[tilespmem:s4], [sflag:$0x3] =	stream.linear.gather [hbm4b:s10+s4], $0x1000, $0x38;
	[tilespmem:$0x1E080] =	vst v63  }
0x12: {  	_ =	swait.ge [sflag:s15], $0x1000  }
0x13: {  	[sflag:s15] =	ssyncset.done $0x0  }
0x14: {  	s13 =	rddreg [dreg:$0x4];
	[sflag:s15] =	ssyncadd.s32 $0xFFFFF000  }
0x15: {  	[tilespmem:s16], [sflag:$0x3] =	stream.linear.gather [hbm4b:s13+s4], $0x1000, $0x38;
	[tilespmem:$0x1E080] =	vst v63  }
0x16: {  	_ =	swait.ge [sflag:s15], $0x1000  }
0x17: {  	[sflag:s15] =	ssyncset.done $0x0  }
0x18: {  	s11 =	simm.s32 $0x2000;
	s14 =	rddreg [dreg:$0x5];
	[sflag:s15] =	ssyncadd.s32 $0xFFFFF000  }
0x19: {  	[tilespmem:s11], [sflag:$0x3] =	stream.linear.gather [hbm4b:s14+s4], $0x1000, $0x38;
	[tilespmem:$0x1E080] =	vst v63  }
0x1a: {  	_ =	swait.ge [sflag:s15], $0x1000  }
0x1b: {  	[sflag:s15] =	ssyncset.done $0x0  }
0x1c: {  	s12 =	simm.s32 $0x3000;
	s17 =	rddreg [dreg:$0x6];
	[sflag:s15] =	ssyncadd.s32 $0xFFFFF000  }
0x1d: {  	[tilespmem:s12], [sflag:$0x3] =	stream.linear.gather [hbm4b:s17+s4], $0x1000, $0x38;
	[tilespmem:$0x1E080] =	vst v63  }
0x1e: {  	_ =	swait.ge [sflag:s15], $0x1000  }
0x1f: {  	[sflag:s15] =	ssyncset.done $0x0  }
0x20: {  	s18 =	simm.s32 $0x4000;
	[sflag:s15] =	ssyncadd.s32 $0xFFFFF000  }
0x21: {  	[tilespmem:s18], [sflag:$0x1] =	stream.indirect.gather [hbm4b:s1+s19], $0x10, s4, s19, $0xb8;
	[tilespmem:$0x1E080] =	vst v63  }
0x22: {  	s21 =	simm.s32 $0x4800  }
0x23: {  	[tilespmem:s21], [sflag:$0x1] =	stream.indirect.gather [hbm4b:s5+s19], $0x80, s16, s19, $0xb8;
	[tilespmem:$0x1E080] =	vst v63  }
0x24: {  	s22 =	simm.s32 $0x8800  }
0x25: {  	[tilespmem:s22], [sflag:$0x1] =	stream.indirect.gather [hbm4b:s6+s19], $0x80, s16, s19, $0xb8;
	[tilespmem:$0x1E080] =	vst v63  }
0x26: {  	s23 =	simm.s32 $0xC800  }
0x27: {  	[tilespmem:s23], [sflag:$0x1] =	stream.indirect.gather [hbm4b:s8+s19], $0x80, s11, s19, $0xb8;
	[tilespmem:$0x1E080] =	vst v63  }
0x28: {  	s24 =	simm.s32 $0x10800;
	s21 =	simm.s32 $0x0  }
0x29: {  	[tilespmem:s24], [sflag:$0x1] =	stream.indirect.gather [hbm4b:s9+s19], $0x10, s12, s19, $0xb8;
	[tilespmem:$0x1E080] =	vst v63  }
.LBB2_2:
0x2a: {  	s23 =	sshll.u32 s21, $0x8  }
0x2b: {  	s22 =	sor.u32 $0x80, s23  }
0x2c: {  	[tilespmem:s25], [sflag:$0x2] =	stream.indirect.gather [hbm4b:s1+s19], $0x10, s22, s19, $0xb8;
	[tilespmem:$0x1E080] =	vst v63  }
0x2d: {  	s10 =	sadd.s32 $0x1080, s23  }
0x2e: {  	[tilespmem:s26], [sflag:$0x2] =	stream.indirect.gather [hbm4b:s5+s19], $0x80, s10, s19, $0xb8;
	[tilespmem:$0x1E080] =	vst v63  }
0x2f: {  	_ = 	snop  }
0x30: {  	[tilespmem:s28], [sflag:$0x2] =	stream.indirect.gather [hbm4b:s6+s19], $0x80, s10, s19, $0xb8;
	[tilespmem:$0x1E080] =	vst v63  }
0x31: {  	s12 =	sadd.s32 $0x2080, s23  }
0x32: {  	[tilespmem:s29], [sflag:$0x2] =	stream.indirect.gather [hbm4b:s8+s19], $0x80, s12, s19, $0xb8;
	[tilespmem:$0x1E080] =	vst v63  }
0x33: {  	s13 =	sadd.s32 $0x3080, s23  }
0x34: {  	[tilespmem:s30], [sflag:$0x2] =	stream.indirect.gather [hbm4b:s9+s19], $0x10, s13, s19, $0xb8;
	[tilespmem:$0x1E080] =	vst v63  }
0x35: {  	_ =	swait.ge [sflag:s31], $0x800  }
0x36: {  	[sflag:s31] =	ssyncset.done $0x0  }
0x37: {  	[sflag:s31] =	ssyncadd.s32 $0xFFFFF800  }
0x38: {  	_ =	swait.ge [sflag:s31], $0x4000  }
0x39: {  	[sflag:s31] =	ssyncset.done $0x0  }
0x3a: {  	[sflag:s31] =	ssyncadd.s32 $0xFFFFC000  }
0x3b: {  	_ =	swait.ge [sflag:s31], $0x4000  }
0x3c: {  	[sflag:s31] =	ssyncset.done $0x0  }
0x3d: {  	[sflag:s31] =	ssyncadd.s32 $0xFFFFC000  }
0x3e: {  	_ =	swait.ge [sflag:s31], $0x4000  }
0x3f: {  	[sflag:s31] =	ssyncset.done $0x0  }
0x40: {  	[sflag:s31] =	ssyncadd.s32 $0xFFFFC000  }
0x41: {  	_ =	swait.ge [sflag:s31], $0x800  }
0x42: {  	[sflag:s31] =	ssyncset.done $0x0  }
0x43: {  	s13 =	simm.s32 $0x10810;
	[sflag:s31] =	ssyncadd.s32 $0xFFFFF800  }
0x44: {  	v18 =	vld [tilespmem:s13+$0x0]  }
0x45: {  	s12 =	simm.s32 $0x4010  }
0x46: {  	v21 =	vld [tilespmem:s12+$0x0];
	_ =	sdelay $0x1  }
0x47: {  	s14 =	simm.s32 $0xC880  }
0x48: {  	s11 =	simm.s32 $0x4880;
	v22 =	vld [tilespmem:s14+$0x50];
	v19 =	vperm.xlane v18, v6  }
0x49: {  	v23 =	vld [tilespmem:s11+$0x0];
	v20 =	vperm.xlane v18, v5;
	v17 =	vperm.xlane v18, v8  }
0x4a: {  	v24 =	vld [tilespmem:s11+$0x10];
	v25 =	vperm.xlane v21, v13;
	v26 =	vperm.xlane v21, v15  }
0x4b: {  	v27 =	vld [tilespmem:s11+$0x20];
	v28 =	vperm.xlane v21, v9;
	v29 =	vperm.xlane v21, v11  }
0x4c: {  	v30 =	vld [tilespmem:s11+$0x30];
	v31 =	vperm.xlane v21, v5;
	v32 =	vperm.xlane v21, v7  }
0x4d: {  	v35 =	vld [tilespmem:s11+$0x40];
	v33 =	vperm.xlane v21, v0;
	v34 =	vperm.xlane v21, v2  }
0x4e: {  	v38 =	vld [tilespmem:s11+$0x50];
	v36 =	vperm.xlane v21, v3;
	v37 =	vperm.xlane v21, v4  }
0x4f: {  	v43 =	vld [tilespmem:s11+$0x60];
	v23 =	vmul.bf16 v33, v23;
	v24 =	vmul.bf16 v34, v24  }
0x50: {  	s24 =	simm.s32 $0x8880;
	v45 =	vld [tilespmem:s11+$0x70];
	v44 =	vperm.xlane v21, v6;
	v27 =	vmul.bf16 v36, v27  }
0x51: {  	v46 =	vld [tilespmem:s24+$0x0];
	v30 =	vmul.bf16 v37, v30;
	v23 =	vadd.bf16 v1, v23;
	v24 =	vadd.bf16 v1, v24  }
0x52: {  	v39 =	vld [tilespmem:s24+$0x10];
	v47 =	vperm.xlane v21, v8;
	v31 =	vmul.bf16 v31, v35  }
0x53: {  	v23 =	vadd.bf16 v27, v23;
	v24 =	vadd.bf16 v30, v24;
	v27 =	vmul.bf16 v44, v38;
	v30 =	vld [tilespmem:s24+$0x20]  }
0x54: {  	v49 =	vld [tilespmem:s24+$0x30];
	v48 =	vperm.xlane v21, v10;
	v32 =	vmul.bf16 v32, v43  }
0x55: {  	v23 =	vadd.bf16 v31, v23;
	v24 =	vadd.bf16 v27, v24;
	v27 =	vmul.bf16 v47, v45;
	v31 =	vld [tilespmem:s24+$0x40]  }
0x56: {  	v51 =	vld [tilespmem:s24+$0x50];
	v50 =	vperm.xlane v21, v12;
	v28 =	vmul.bf16 v28, v46  }
0x57: {  	v52 =	vld [tilespmem:s24+$0x60];
	v23 =	vadd.bf16 v32, v23;
	v24 =	vadd.bf16 v27, v24;
	v27 =	vmul.bf16 v48, v39  }
0x58: {  	v53 =	vld [tilespmem:s24+$0x70];
	v29 =	vmul.bf16 v29, v30;
	v30 =	vperm.xlane v21, v14  }
0x59: {  	v23 =	vadd.bf16 v28, v23;
	v24 =	vadd.bf16 v27, v24;
	v27 =	vmul.bf16 v50, v49  }
0x5a: {  	v21 =	vperm.xlane v21, v16;
	v28 =	vld [tilespmem:s14+$0x70];
	v25 =	vmul.bf16 v25, v31  }
0x5b: {  	v31 =	vld [tilespmem:s14+$0x40];
	v23 =	vadd.bf16 v29, v23;
	v24 =	vadd.bf16 v27, v24;
	v27 =	vmul.bf16 v30, v51  }
0x5c: {  	v54 =	vunpack.i.u.bf16.f32 v22;
	v55 =	vperm.xlane v18, v7;
	v26 =	vmul.bf16 v26, v52;
	v29 =	vld [tilespmem:s14+$0x60]  }
0x5d: {  	v21 =	vmul.bf16 v21, v53;
	v30 =	vld [tilespmem:s14+$0x10];
	v23 =	vadd.bf16 v25, v23;
	v24 =	vadd.bf16 v27, v24  }
0x5e: {  	v56 =	vperm.xlane v18, v2;
	v57 =	vperm.xlane v18, v4;
	v22 =	vunpack.i.l.bf16.f32 v22;
	v25 =	vld [tilespmem:s14+$0x30]  }
0x5f: {  	v60 =	vperm.xlane v18, v3;
	v27 =	vld [tilespmem:s14+$0x0];
	v23 =	vadd.bf16 v26, v23;
	v21 =	vadd.bf16 v21, v24  }
0x60: {  	v58 =	vunpack.i.u.bf16.f32 v28;
	v28 =	vunpack.i.l.bf16.f32 v28;
	v24 =	vunpack.i.u.bf16.f32 v31  }
0x61: {  	v26 =	vld [tilespmem:s14+$0x20];
	v31 =	vunpack.i.l.bf16.f32 v31;
	v59 =	vunpack.i.u.bf16.f32 v29;
	v21 =	vadd.bf16 v21, v23  }
0x62: {  	v29 =	vunpack.i.l.bf16.f32 v29;
	v23 =	vperm.xlane v18, v0;
	v18 =	vunpack.i.u.bf16.f32 v30  }
0x63: {  	v30 =	vunpack.i.l.bf16.f32 v30;
	v61 =	vunpack.i.u.bf16.f32 v25;
	v40 =	vunpack.i.u.bf16.f32 v21  }
0x64: {  	v41 =	vunpack.i.u.bf16.f32 v27;
	v21 =	vunpack.i.l.bf16.f32 v21;
	v32 =	vmul.f32 v54, v40  }
0x65: {  	v27 =	vunpack.i.l.bf16.f32 v27;
	v24 =	vmul.f32 v24, v21;
	v37 =	vmul.f32 v59, v21  }
0x66: {  	v42 =	vunpack.i.u.bf16.f32 v26;
	v43 =	vmul.f32 v18, v40;
	v18 =	vmul.f32 v31, v21  }
0x67: {  	v31 =	vmul.f32 v41, v21;
	v26 =	vunpack.i.l.bf16.f32 v26;
	v27 =	vmul.f32 v27, v21  }
0x68: {  	v25 =	vunpack.i.l.bf16.f32 v25;
	v30 =	vmul.f32 v30, v40;
	v26 =	vmul.f32 v26, v21  }
0x69: {  	v62 =	vmul.f32 v42, v21;
	v24 =	vadd.f32 $0.0e+00, v24;
	v63 =	vadd.f32 $0.0e+00, v18  }
0x6a: {  	v21 =	vmul.f32 v29, v21;
	v18 =	vadd.f32 $0.0e+00, v27;
	v27 =	vadd.f32 $0.0e+00, v37  }
0x6b: {  	v36 =	vmul.f32 v58, v40;
	v31 =	vadd.f32 $0.0e+00, v31;
	v26 =	vadd.f32 $0.0e+00, v26  }
0x6c: {  	v22 =	vmul.f32 v22, v40;
	v21 =	vadd.f32 $0.0e+00, v21;
	v29 =	vadd.f32 v30, v18  }
0x6d: {  	v25 =	vmul.f32 v25, v40;
	v30 =	vadd.f32 $0.0e+00, v62;
	v31 =	vadd.f32 v43, v31  }
0x6e: {  	v28 =	vmul.f32 v28, v40;
	v22 =	vadd.f32 v22, v63;
	v24 =	vadd.f32 v32, v24  }
0x6f: {  	v18 =	vld [tilespmem:s13+$0xFFFFFFF0];
	v27 =	vadd.f32 v36, v27;
	v25 =	vadd.f32 v25, v26;
	v26 =	vmul.f32 v61, v40  }
0x70: {  	v21 =	vadd.f32 v28, v21;
	v23 =	vmul.f32 v29, v23;
	v29 =	vld [tilespmem:s12+$0xFFFFFFF0];
	v31 =	vmul.f32 v56, v31  }
0x71: {  	v44 =	vld [tilespmem:s24+$0xFFFFFF90];
	v20 =	vmul.f32 v22, v20;
	v26 =	vadd.f32 v26, v30;
	v25 =	vmul.f32 v25, v60  }
0x72: {  	v19 =	vmul.f32 v19, v24;
	v17 =	vmul.f32 v17, v27;
	v30 =	vld [tilespmem:s11+$0xFFFFFF80];
	v23 =	vadd.f32 $0.0e+00, v23  }
0x73: {  	v28 =	vld [tilespmem:s11+$0xFFFFFF90];
	v21 =	vmul.f32 v21, v55;
	v25 =	vadd.f32 $0.0e+00, v25;
	v26 =	vmul.f32 v57, v26  }
0x74: {  	v51 =	vperm.xlane v18, v0;
	v52 =	vperm.xlane v18, v3;
	v22 =	vadd.f32 v23, v31;
	v23 =	vld [tilespmem:s11+$0xFFFFFFA0]  }
0x75: {  	v45 =	vld [tilespmem:s24+$0xFFFFFFC0];
	v55 =	vperm.xlane v18, v2;
	v31 =	vperm.xlane v29, v0  }
0x76: {  	v25 =	vadd.f32 v25, v26;
	v26 =	vld [tilespmem:s11+$0xFFFFFFB0];
	v24 =	vperm.xlane v29, v2;
	v20 =	vadd.f32 v20, v22  }
0x77: {  	v22 =	vld [tilespmem:s11+$0xFFFFFFC0];
	v27 =	vmul.bf16 v31, v30;
	v31 =	vperm.xlane v29, v3  }
0x78: {  	v21 =	vadd.f32 v21, v25;
	v25 =	vld [tilespmem:s11+$0xFFFFFFD0];
	v19 =	vadd.f32 v20, v19;
	v20 =	vmul.bf16 v24, v28  }
0x79: {  	v42 =	vld [tilespmem:s11+$0xFFFFFFE0];
	v24 =	vperm.xlane v29, v4;
	v27 =	vadd.bf16 v1, v27;
	v23 =	vmul.bf16 v31, v23  }
0x7a: {  	v28 =	vld [tilespmem:s11+$0xFFFFFFF0];
	v31 =	vperm.xlane v29, v5;
	v17 =	vadd.f32 v21, v17;
	v20 =	vadd.bf16 v1, v20  }
0x7b: {  	v43 =	vld [tilespmem:s24+$0xFFFFFF80];
	v24 =	vmul.bf16 v24, v26;
	v26 =	vperm.xlane v29, v6;
	v23 =	vadd.bf16 v23, v27  }
0x7c: {  	v47 =	vld [tilespmem:s14+$0xFFFFFF90];
	v22 =	vmul.bf16 v31, v22;
	v27 =	vperm.xlane v29, v7;
	v17 =	vadd.f32 v17, v19  }
0x7d: {  	v31 =	vld [tilespmem:s24+$0xFFFFFFA0];
	v20 =	vadd.bf16 v24, v20;
	v24 =	vmul.bf16 v26, v25;
	v25 =	vperm.xlane v29, v8  }
0x7e: {  	v26 =	vld [tilespmem:s24+$0xFFFFFFB0];
	v22 =	vadd.bf16 v22, v23;
	v23 =	vmul.bf16 v27, v42;
	v27 =	vperm.xlane v29, v9  }
0x7f: {  	v48 =	vld [tilespmem:s14+$0xFFFFFFC0];
	v20 =	vadd.bf16 v24, v20;
	v21 =	vmul.bf16 v25, v28;
	v25 =	vperm.xlane v29, v10  }
0x80: {  	v19 =	vperm.xlane v29, v11;
	v24 =	vld [tilespmem:s24+$0xFFFFFFD0];
	v22 =	vadd.bf16 v23, v22;
	v23 =	vmul.bf16 v27, v43  }
0x81: {  	v28 =	vperm.xlane v29, v12;
	v27 =	vld [tilespmem:s24+$0xFFFFFFE0];
	v20 =	vadd.bf16 v21, v20;
	v25 =	vmul.bf16 v25, v44  }
0x82: {  	v46 =	vperm.xlane v29, v13;
	v19 =	vmul.bf16 v19, v31;
	v22 =	vadd.bf16 v23, v22;
	v23 =	vld [tilespmem:s24+$0xFFFFFFF0]  }
0x83: {  	v41 =	vld [tilespmem:s14+$0xFFFFFF80];
	v20 =	vadd.bf16 v25, v20;
	v25 =	vmul.bf16 v28, v26;
	v26 =	vperm.xlane v29, v14  }
0x84: {  	v32 =	vmul.bf16 v46, v45;
	v21 =	vld [tilespmem:s14+$0xFFFFFFA0];
	v19 =	vadd.bf16 v19, v22;
	v22 =	vperm.xlane v29, v15  }
0x85: {  	v28 =	vld [tilespmem:s14+$0xFFFFFFB0];
	v20 =	vadd.bf16 v25, v20;
	v25 =	vperm.xlane v29, v16;
	v24 =	vmul.bf16 v26, v24  }
0x86: {  	v49 =	vunpack.i.l.bf16.f32 v47;
	v58 =	vperm.xlane v18, v4;
	v26 =	vld [tilespmem:s14+$0xFFFFFFE0];
	v22 =	vmul.bf16 v22, v27  }
0x87: {  	s17 =	simm.s32 $0x1;
	v29 =	vld [tilespmem:s14+$0xFFFFFFD0];
	v19 =	vadd.bf16 v32, v19;
	v23 =	vmul.bf16 v25, v23;
	v20 =	vadd.bf16 v24, v20  }
0x88: {  	v61 =	vperm.xlane v18, v8;
	v30 =	vunpack.i.l.bf16.f32 v41;
	v31 =	vmov s17  }
0x89: {  	v27 =	vunpack.i.l.bf16.f32 v21;
	v19 =	vadd.bf16 v22, v19;
	v20 =	vadd.bf16 v23, v20  }
0x8a: {  	v21 =	vunpack.i.u.bf16.f32 v21;
	v25 =	vunpack.i.u.bf16.f32 v41;
	v22 =	vunpack.i.u.bf16.f32 v47  }
0x8b: {  	v24 =	vld [tilespmem:s14+$0xFFFFFFF0];
	v50 =	vunpack.i.l.bf16.f32 v28;
	v23 =	vunpack.i.u.bf16.f32 v28;
	v19 =	vadd.bf16 v20, v19  }
0x8c: {  	v28 =	vunpack.i.l.bf16.f32 v48;
	v53 =	vunpack.i.l.bf16.f32 v26;
	v54 =	vunpack.i.l.bf16.f32 v29  }
0x8d: {  	v26 =	vunpack.i.u.bf16.f32 v26;
	v29 =	vunpack.i.u.bf16.f32 v29;
	v57 =	vunpack.i.l.bf16.f32 v19  }
0x8e: {  	v19 =	vunpack.i.u.bf16.f32 v19;
	v30 =	vmul.f32 v30, v57;
	v27 =	vmul.f32 v27, v57  }
0x8f: {  	v20 =	vunpack.i.u.bf16.f32 v48;
	v25 =	vmul.f32 v25, v57;
	v32 =	vmul.f32 v49, v19  }
0x90: {  	v56 =	vunpack.i.l.bf16.f32 v24;
	v21 =	vmul.f32 v21, v57;
	v33 =	vmul.f32 v50, v19  }
0x91: {  	v24 =	vunpack.i.u.bf16.f32 v24;
	v22 =	vmul.f32 v22, v19;
	v20 =	vmul.f32 v20, v57  }
0x92: {  	v26 =	vmul.f32 v26, v57;
	v30 =	vadd.f32 $0.0e+00, v30;
	v27 =	vadd.f32 $0.0e+00, v27  }
0x93: {  	v23 =	vmul.f32 v23, v19;
	v25 =	vadd.f32 $0.0e+00, v25;
	v21 =	vadd.f32 $0.0e+00, v21  }
0x94: {  	v28 =	vmul.f32 v28, v57;
	v20 =	vadd.f32 $0.0e+00, v20;
	v26 =	vadd.f32 $0.0e+00, v26  }
0x95: {  	v59 =	vmul.f32 v53, v57;
	v30 =	vadd.f32 v32, v30;
	v27 =	vadd.f32 v33, v27  }
0x96: {  	v60 =	vmul.f32 v56, v19;
	v22 =	vadd.f32 v22, v25;
	v21 =	vadd.f32 v23, v21  }
0x97: {  	v25 =	vmul.f32 v30, v51;
	v23 =	vmul.f32 v27, v52;
	v27 =	vadd.f32 $0.0e+00, v28  }
0x98: {  	(xrf2) =	vadd.scan.msk.f32 $0xffff, v17;
	v28 =	vadd.f32 $0.0e+00, v59;
	v30 =	vmul.f32 v54, v19;
	v22 =	vmul.f32 v55, v22  }
0x99: {  	v21 =	vmul.f32 v58, v21;
	v25 =	vadd.f32 $0.0e+00, v25;
	v23 =	vadd.f32 $0.0e+00, v23  }
0x9a: {  	s18 =	simm.s32 $0x0;
	s11 =	simm.s32 $0x10830;
	v17 =	vadd.f32 v30, v27;
	v27 =	vmul.f32 v29, v19;
	v28 =	vadd.f32 v60, v28  }
0x9b: {  	v29 =	vperm.xlane v18, v5;
	v19 =	vmul.f32 v24, v19;
	v24 =	vld [tilespmem:s11+$0x0];
	v30 =	vmov s18  }
0x9c: {  	s12 =	simm.s32 $0x4030;
	v22 =	vadd.f32 v25, v22;
	v25 =	vperm.xlane v18, v7;
	v20 =	vadd.f32 v27, v20  }
0x9d: {  	s10 =	simm.s32 $0x4980;
	v27 =	vmul.f32 v17, v29;
	v19 =	vadd.f32 v19, v26;
	v26 =	vld [tilespmem:s12+$0x0];
	v29 =	vperm.xlane v18, v6  }
0x9e: {  	v34 =	vld [tilespmem:s10+$0x10];
	v23 =	vadd.f32 v23, v21;
	v28 =	vmul.f32 v28, v25;
	v25 =	vand.u32 $0xFFFFFFFE, v30  }
0x9f: {  	v35 =	vld [tilespmem:s10+$0x30];
	v29 =	vmul.f32 v29, v20;
	v27 =	vadd.f32 v27, v22;
	v30 =	vmul.f32 v61, v19  }
0xa0: {  	v37 =	vld [tilespmem:s10+$0x40];
	v20 =	vbroadcast v25, $0x0;
	v21 =	vperm.xlane v24, v6;
	v23 =	vadd.f32 v28, v23  }
0xa1: {  	v36 =	vld [tilespmem:s10+$0x20];
	v22 =	vperm.xlane v24, v5;
	v19 =	vperm.xlane v24, v8;
	v62 =	vadd.f32 v27, v29  }
0xa2: {  	v63, _, _ =	vpop (xrf2);
	v32 =	vld [tilespmem:s10+$0x0];
	v28 =	vperm.xlane v26, v13;
	v27 =	vperm.xlane v26, v15;
	v23 =	vadd.f32 v23, v30  }
0xa3: {  	[tilespmem:v31+s0+$0x0] =	vst.idx.msk vm0, v63;
	v17 =	vld [tilespmem:s11+$0xFFFFFFF0];
	v29 =	vperm.xlane v26, v11;
	v33 =	vperm.xlane v26, v5  }
0xa4: {  	s18 =	simm.s32 $0xC980;
	v18 =	vld [tilespmem:s12+$0xFFFFFFF0];
	v31 =	vperm.xlane v26, v7;
	v38 =	vperm.xlane v26, v0;
	v23 =	vadd.f32 v23, v62  }
0xa5: {  	s13 =	simm.s32 $0x4;
	s17 =	simm.s32 $0x2;
	v25 =	vld [tilespmem:s18+$0x50];
	v39 =	vperm.xlane v26, v2;
	v30 =	vperm.xlane v26, v9  }
.LBB2_3:
0xa6: {  	p0 =	slt.u32 s13, $0x7E;
	v40 =	vperm.xlane v26, v3;
	v41 =	vperm.xlane v26, v4;
	v42 =	vld [tilespmem:s10+$0x50];
	(xrf2) =	vadd.scan.msk.f32 $0xffff, v23  }
0xa7: {  	v23 =	vmul.bf16 v38, v32;
	v32 =	vmul.bf16 v39, v34;
	v34 =	vld [tilespmem:s10+$0x60]  }
0xa8: {  	s24 =	sadd.s32 $0x100, s24;
	v38 =	vperm.xlane v26, v6;
	v36 =	vmul.bf16 v40, v36;
	v39 =	vld [tilespmem:s10+$0x70]  }
0xa9: {  	v23 =	vadd.bf16 v1, v23;
	v32 =	vadd.bf16 v1, v32;
	v35 =	vmul.bf16 v41, v35;
	v40 =	vld [tilespmem:s24+$0x0]  }
0xaa: {  	v33 =	vmul.bf16 v33, v37;
	v37 =	vperm.xlane v26, v8;
	v41 =	vld [tilespmem:s24+$0x10]  }
0xab: {  	v23 =	vadd.bf16 v36, v23;
	v32 =	vadd.bf16 v35, v32;
	v35 =	vmul.bf16 v38, v42;
	v36 =	vld [tilespmem:s24+$0x20]  }
0xac: {  	v31 =	vmul.bf16 v31, v34;
	v34 =	vperm.xlane v26, v10;
	v38 =	vld [tilespmem:s24+$0x30]  }
0xad: {  	v23 =	vadd.bf16 v33, v23;
	v32 =	vadd.bf16 v35, v32;
	v33 =	vmul.bf16 v37, v39;
	v35 =	vld [tilespmem:s24+$0x40]  }
0xae: {  	v37 =	vperm.xlane v26, v12;
	v30 =	vmul.bf16 v30, v40;
	v39 =	vld [tilespmem:s24+$0x50]  }
0xaf: {  	v23 =	vadd.bf16 v31, v23;
	v31 =	vadd.bf16 v33, v32;
	v32 =	vmul.bf16 v34, v41;
	v33 =	vld [tilespmem:s24+$0x60]  }
0xb0: {  	v34 =	vperm.xlane v26, v14;
	v29 =	vmul.bf16 v29, v36;
	v36 =	vld [tilespmem:s24+$0x70];
	v40, _, _ =	vpop (xrf2)  }
0xb1: {  	v23 =	vadd.bf16 v30, v23;
	v30 =	vadd.bf16 v32, v31;
	v31 =	vmul.bf16 v37, v38;
	v32 =	vld [tilespmem:s18+$0x70]  }
0xb2: {  	v26 =	vperm.xlane v26, v16;
	v28 =	vmul.bf16 v28, v35;
	v35 =	vld [tilespmem:s18+$0x40];
	[tilespmem:v20+s0+$0x0] =	vst.idx.msk vm0, v40  }
0xb3: {  	v20 =	vadd.bf16 v29, v23;
	v23 =	vadd.bf16 v31, v30;
	v29 =	vmul.bf16 v34, v39;
	v30 =	vld [tilespmem:s18+$0x60]  }
0xb4: {  	v34 =	vperm.xlane v24, v7;
	v27 =	vmul.bf16 v27, v33;
	v31 =	vld [tilespmem:s18+$0x10];
	v33 =	vunpack.i.u.bf16.f32 v25  }
0xb5: {  	v20 =	vadd.bf16 v28, v20;
	v23 =	vadd.bf16 v29, v23;
	v26 =	vmul.bf16 v26, v36;
	v28 =	vld [tilespmem:s18+$0x30]  }
0xb6: {  	v37 =	vperm.xlane v24, v4;
	v36 =	vperm.xlane v24, v2;
	v29 =	vld [tilespmem:s18+$0x0];
	v38 =	vunpack.i.u.bf16.f32 v32  }
0xb7: {  	v39 =	vld [tilespmem:s10+$0xFFFFFF80];
	v20 =	vadd.bf16 v27, v20;
	v23 =	vadd.bf16 v26, v23;
	v26 =	vunpack.i.u.bf16.f32 v35  }
0xb8: {  	v25 =	vunpack.i.l.bf16.f32 v25;
	v32 =	vunpack.i.l.bf16.f32 v32;
	v27 =	vld [tilespmem:s18+$0x20];
	v40 =	vunpack.i.u.bf16.f32 v30  }
0xb9: {  	v41 =	vld [tilespmem:s10+$0xFFFFFF90];
	v20 =	vadd.bf16 v23, v20;
	v23 =	vperm.xlane v24, v0;
	v24 =	vperm.xlane v24, v3  }
0xba: {  	v35 =	vunpack.i.l.bf16.f32 v35;
	v43 =	vunpack.i.u.bf16.f32 v31;
	v42 =	vld [tilespmem:s10+$0xFFFFFFA0];
	v44 =	vunpack.i.u.bf16.f32 v28  }
0xbb: {  	v30 =	vunpack.i.l.bf16.f32 v30;
	v45 =	vld [tilespmem:s10+$0xFFFFFFB0];
	v46 =	vunpack.i.u.bf16.f32 v20;
	v47 =	vunpack.i.u.bf16.f32 v29  }
0xbc: {  	v31 =	vunpack.i.l.bf16.f32 v31;
	v20 =	vunpack.i.l.bf16.f32 v20;
	v48 =	vld [tilespmem:s10+$0xFFFFFFC0];
	v33 =	vmul.f32 v33, v46  }
0xbd: {  	v26 =	vmul.f32 v26, v20;
	v38 =	vmul.f32 v38, v46;
	v49 =	vld [tilespmem:s10+$0xFFFFFFD0];
	v50 =	vunpack.i.u.bf16.f32 v27  }
0xbe: {  	v28 =	vunpack.i.l.bf16.f32 v28;
	v25 =	vmul.f32 v25, v46;
	v40 =	vmul.f32 v40, v20;
	v51 =	vld [tilespmem:s10+$0xFFFFFFE0]  }
0xbf: {  	v29 =	vunpack.i.l.bf16.f32 v29;
	v43 =	vmul.f32 v43, v46;
	v35 =	vmul.f32 v35, v20;
	v52 =	vld [tilespmem:s10+$0xFFFFFFF0]  }
0xc0: {  	v47 =	vmul.f32 v47, v20;
	v31 =	vmul.f32 v31, v46;
	v27 =	vunpack.i.l.bf16.f32 v27;
	v53 =	vld [tilespmem:s24+$0xFFFFFF80]  }
0xc1: {  	v29 =	vmul.f32 v29, v20;
	v27 =	vmul.f32 v27, v20;
	v26 =	vadd.f32 $0.0e+00, v26;
	v54 =	vld [tilespmem:s24+$0xFFFFFF90]  }
0xc2: {  	v50 =	vmul.f32 v50, v20;
	v35 =	vadd.f32 $0.0e+00, v35;
	v40 =	vadd.f32 $0.0e+00, v40;
	v55 =	vld [tilespmem:s24+$0xFFFFFFA0]  }
0xc3: {  	v28 =	vmul.f32 v28, v46;
	v29 =	vadd.f32 $0.0e+00, v29;
	v27 =	vadd.f32 $0.0e+00, v27;
	v56 =	vld [tilespmem:s24+$0xFFFFFFB0]  }
0xc4: {  	v47 =	vadd.f32 $0.0e+00, v47;
	v20 =	vmul.f32 v30, v20;
	v50 =	vadd.f32 $0.0e+00, v50;
	v57 =	vld [tilespmem:s24+$0xFFFFFFC0]  }
0xc5: {  	v29 =	vadd.f32 v31, v29;
	v27 =	vadd.f32 v28, v27;
	v28 =	vmul.f32 v44, v46;
	v30 =	vld [tilespmem:s24+$0xFFFFFFD0]  }
0xc6: {  	v32 =	vmul.f32 v32, v46;
	v43 =	vadd.f32 v43, v47;
	v20 =	vadd.f32 $0.0e+00, v20;
	v31 =	vld [tilespmem:s24+$0xFFFFFFE0]  }
0xc7: {  	v23 =	vmul.f32 v29, v23;
	v28 =	vadd.f32 v28, v50;
	v24 =	vmul.f32 v27, v24;
	v44 =	vld [tilespmem:s24+$0xFFFFFFF0]  }
0xc8: {  	v25 =	vadd.f32 v25, v35;
	v29 =	vmul.f32 v36, v43;
	v20 =	vadd.f32 v32, v20;
	v27 =	vld [tilespmem:s18+$0xFFFFFF80]  }
0xc9: {  	v23 =	vadd.f32 $0.0e+00, v23;
	v24 =	vadd.f32 $0.0e+00, v24;
	v28 =	vmul.f32 v37, v28;
	v32 =	vld [tilespmem:s18+$0xFFFFFFA0]  }
0xca: {  	v26 =	vadd.f32 v33, v26;
	v22 =	vmul.f32 v25, v22;
	v25 =	vadd.f32 v38, v40;
	v35 =	vld [tilespmem:s18+$0xFFFFFF90]  }
0xcb: {  	v20 =	vmul.f32 v20, v34;
	v23 =	vadd.f32 v23, v29;
	v24 =	vadd.f32 v24, v28;
	v33 =	vld [tilespmem:s18+$0xFFFFFFB0]  }
0xcc: {  	v21 =	vmul.f32 v21, v26;
	v28 =	vperm.xlane v18, v0;
	v29 =	vld [tilespmem:s18+$0xFFFFFFC0]  }
0xcd: {  	v19 =	vmul.f32 v19, v25;
	v22 =	vadd.f32 v22, v23;
	v20 =	vadd.f32 v20, v24;
	v26 =	vld [tilespmem:s18+$0xFFFFFFE0]  }
0xce: {  	v23 =	vmul.bf16 v28, v39;
	v24 =	vperm.xlane v18, v2;
	v25 =	vunpack.i.l.bf16.f32 v27;
	v28 =	vld [tilespmem:s18+$0xFFFFFFD0]  }
0xcf: {  	v34 =	vperm.xlane v18, v3;
	v21 =	vadd.f32 v22, v21;
	v19 =	vadd.f32 v20, v19;
	v36 =	vld [tilespmem:s18+$0xFFFFFFF0]  }
0xd0: {  	v20 =	vadd.bf16 v1, v23;
	v22 =	vmul.bf16 v24, v41;
	v23 =	vperm.xlane v18, v4  }
0xd1: {  	v24 =	vmul.bf16 v34, v42;
	v34 =	vperm.xlane v18, v5;
	v19 =	vadd.f32 v19, v21  }
0xd2: {  	v21 =	vadd.bf16 v1, v22;
	v22 =	vmul.bf16 v23, v45;
	v23 =	vperm.xlane v18, v6  }
0xd3: {  	v20 =	vadd.bf16 v24, v20;
	v24 =	vmul.bf16 v34, v48;
	v34 =	vperm.xlane v18, v7;
	(xrf2) =	vadd.scan.msk.f32 $0xffff, v19  }
0xd4: {  	v19 =	vadd.bf16 v22, v21;
	v21 =	vmul.bf16 v23, v49;
	v22 =	vperm.xlane v18, v8  }
0xd5: {  	v20 =	vadd.bf16 v24, v20;
	v24 =	vperm.xlane v18, v9;
	v23 =	vmul.bf16 v34, v51  }
0xd6: {  	v19 =	vadd.bf16 v21, v19;
	v21 =	vmul.bf16 v22, v52;
	v22 =	vperm.xlane v18, v10  }
0xd7: {  	v20 =	vadd.bf16 v23, v20;
	v23 =	vmul.bf16 v24, v53;
	v24 =	vperm.xlane v18, v11  }
0xd8: {  	s14 =	sadd.s32 $0x1, s17;
	v19 =	vadd.bf16 v21, v19;
	v21 =	vmul.bf16 v22, v54;
	v22 =	vperm.xlane v18, v12  }
0xd9: {  	v20 =	vadd.bf16 v23, v20;
	v23 =	vmul.bf16 v24, v55;
	v24 =	vmov s14  }
0xda: {  	v19 =	vadd.bf16 v21, v19;
	v21 =	vmul.bf16 v22, v56;
	v22 =	vperm.xlane v18, v13  }
0xdb: {  	v34 =	vperm.xlane v18, v15;
	v20 =	vadd.bf16 v23, v20;
	v23 =	vperm.xlane v18, v14  }
0xdc: {  	v18 =	vperm.xlane v18, v16;
	v19 =	vadd.bf16 v21, v19;
	v21 =	vmul.bf16 v22, v57  }
0xdd: {  	v22 =	vmul.bf16 v23, v30;
	v23 =	vmul.bf16 v34, v31;
	v30 =	vunpack.i.l.bf16.f32 v32;
	v31, _, _ =	vpop (xrf2)  }
0xde: {  	v18 =	vmul.bf16 v18, v44;
	v20 =	vadd.bf16 v21, v20;
	v21 =	vunpack.i.u.bf16.f32 v27;
	[tilespmem:v24+s0+$0x0] =	vst.idx.msk vm0, v31  }
0xdf: {  	v19 =	vadd.bf16 v22, v19;
	v22 =	vunpack.i.l.bf16.f32 v35;
	v24 =	vunpack.i.u.bf16.f32 v32  }
0xe0: {  	v27 =	vunpack.i.l.bf16.f32 v33;
	v20 =	vadd.bf16 v23, v20;
	v23 =	vunpack.i.u.bf16.f32 v35  }
0xe1: {  	v31 =	vunpack.i.l.bf16.f32 v29;
	v18 =	vadd.bf16 v18, v19;
	v19 =	vunpack.i.u.bf16.f32 v33  }
0xe2: {  	v34 =	vunpack.i.l.bf16.f32 v26;
	v32 =	vperm.xlane v17, v0;
	v33 =	vperm.xlane v17, v3  }
0xe3: {  	v18 =	vadd.bf16 v18, v20;
	v20 =	vunpack.i.u.bf16.f32 v29;
	v29 =	vunpack.i.l.bf16.f32 v28  }
0xe4: {  	v37 =	vunpack.i.l.bf16.f32 v36;
	v26 =	vunpack.i.u.bf16.f32 v26;
	v35 =	vperm.xlane v17, v2  }
0xe5: {  	v39 =	vperm.xlane v17, v4;
	v38 =	vunpack.i.u.bf16.f32 v18;
	v18 =	vunpack.i.l.bf16.f32 v18  }
0xe6: {  	v28 =	vunpack.i.u.bf16.f32 v28;
	v25 =	vmul.f32 v25, v18;
	v30 =	vmul.f32 v30, v18  }
0xe7: {  	v36 =	vunpack.i.u.bf16.f32 v36;
	v21 =	vmul.f32 v21, v18;
	v22 =	vmul.f32 v22, v38  }
0xe8: {  	v24 =	vmul.f32 v24, v18;
	v25 =	vadd.f32 $0.0e+00, v25;
	v30 =	vadd.f32 $0.0e+00, v30  }
0xe9: {  	v23 =	vmul.f32 v23, v38;
	v27 =	vmul.f32 v27, v38;
	v21 =	vadd.f32 $0.0e+00, v21  }
0xea: {  	v19 =	vmul.f32 v19, v38;
	v24 =	vadd.f32 $0.0e+00, v24;
	v22 =	vadd.f32 v22, v25  }
0xeb: {  	v25 =	vadd.f32 v27, v30;
	v27 =	vmul.f32 v31, v18;
	v30 =	vmul.f32 v34, v18  }
0xec: {  	v21 =	vadd.f32 v23, v21;
	v19 =	vadd.f32 v19, v24;
	v22 =	vmul.f32 v22, v32  }
0xed: {  	v23 =	vmul.f32 v25, v33;
	v24 =	vadd.f32 $0.0e+00, v27;
	v25 =	vadd.f32 $0.0e+00, v30  }
0xee: {  	v20 =	vmul.f32 v20, v18;
	v27 =	vmul.f32 v29, v38;
	v22 =	vadd.f32 $0.0e+00, v22  }
0xef: {  	v18 =	vmul.f32 v26, v18;
	v26 =	vmul.f32 v37, v38;
	v23 =	vadd.f32 $0.0e+00, v23  }
0xf0: {  	v21 =	vmul.f32 v35, v21;
	v19 =	vmul.f32 v39, v19;
	v27 =	vadd.f32 v27, v24  }
0xf1: {  	v28 =	vmul.f32 v28, v38;
	v20 =	vadd.f32 $0.0e+00, v20;
	v25 =	vadd.f32 v26, v25  }
0xf2: {  	s11 =	sadd.s32 $0x20, s11;
	v18 =	vadd.f32 $0.0e+00, v18;
	v29 =	vmul.f32 v36, v38;
	v26 =	vperm.xlane v17, v5  }
0xf3: {  	v21 =	vadd.f32 v22, v21;
	v19 =	vadd.f32 v23, v19;
	v22 =	vperm.xlane v17, v7;
	v24 =	vld [tilespmem:s11+$0x0]  }
0xf4: {  	s12 =	sadd.s32 $0x20, s12;
	v20 =	vadd.f32 v28, v20;
	v28 =	vadd.f32 v29, v18;
	v27 =	vmul.f32 v27, v26;
	v23 =	vld [tilespmem:s11+$0xFFFFFFF0]  }
0xf5: {  	v29 =	vperm.xlane v17, v6;
	v22 =	vmul.f32 v25, v22;
	v25 =	vmov s17;
	s17 =	smov.u32 s13;
	v26 =	vld [tilespmem:s12+$0x0]  }
0xf6: {  	v33 =	vperm.xlane v17, v8;
	v27 =	vadd.f32 v27, v21;
	v21 =	vand.u32 $0xFFFFFFFE, v25;
	v18 =	vld [tilespmem:s12+$0xFFFFFFF0]  }
0xf7: {  	s18 =	sadd.s32 $0x100, s18;
	v29 =	vmul.f32 v29, v20;
	v30 =	vadd.f32 v22, v19;
	v20 =	vbroadcast v21, $0x0  }
0xf8: {  	s10 =	sadd.s32 $0x100, s10;
	v31 =	vmul.f32 v33, v28;
	v25 =	vld [tilespmem:s18+$0x50];
	v21 =	vperm.xlane v24, v6  }
.Ltmp0:
0xf9: {  	v37 =	vadd.f32 v27, v29;
	v22 =	vperm.xlane v24, v5;
	v19 =	vperm.xlane v24, v8;
	v32 =	vld [tilespmem:s10+$0x0];
	v17 =	vmovc v23;
	(pc) =	sbr.rel @p0 .LBB2_3-.Ltmp0, $4  }
0xfa: {  	v23 =	vadd.f32 v30, v31;
	v34 =	vld [tilespmem:s10+$0x10];
	v28 =	vperm.xlane v26, v13;
	v27 =	vperm.xlane v26, v15  }
0xfb: {  	v30 =	vperm.xlane v26, v9;
	v29 =	vperm.xlane v26, v11;
	v36 =	vld [tilespmem:s10+$0x20]  }
0xfc: {  	v33 =	vperm.xlane v26, v5;
	v31 =	vperm.xlane v26, v7;
	v23 =	vadd.f32 v23, v37;
	v35 =	vld [tilespmem:s10+$0x30]  }
0xfd: {  	s13 =	sadd.s32 $0x2, s13;
	v38 =	vperm.xlane v26, v0;
	v39 =	vperm.xlane v26, v2;
	v37 =	vld [tilespmem:s10+$0x40]  }
0xfe: {  	v40 =	vperm.xlane v26, v3;
	v42 =	vld [tilespmem:s10+$0x50]  }
0xff: {  	v41 =	vperm.xlane v26, v4;
	v59 =	vld [tilespmem:s10+$0x60];
	v60 =	vperm.xlane v26, v6  }
0x100: {  	v61 =	vld [tilespmem:s10+$0x70];
	s11 =	sadd.s32 $0x100, s24;
	v63 =	vperm.xlane v26, v8;
	v47 =	vperm.xlane v26, v10  }
0x101: {  	v32 =	vmul.bf16 v38, v32;
	v34 =	vmul.bf16 v39, v34;
	v62 =	vld [tilespmem:s11+$0x0]  }
0x102: {  	v52 =	vperm.xlane v26, v12;
	v43 =	vld [tilespmem:s11+$0x10];
	v36 =	vmul.bf16 v40, v36  }
0x103: {  	v46 =	vld [tilespmem:s11+$0x20];
	v32 =	vadd.bf16 v1, v32;
	v34 =	vadd.bf16 v1, v34;
	v35 =	vmul.bf16 v41, v35  }
0x104: {  	v57 =	vperm.xlane v26, v14;
	v48 =	vld [tilespmem:s11+$0x30];
	v33 =	vmul.bf16 v33, v37  }
0x105: {  	v51 =	vld [tilespmem:s11+$0x40];
	v32 =	vadd.bf16 v36, v32;
	v34 =	vadd.bf16 v35, v34;
	v45 =	vmul.bf16 v60, v42  }
0x106: {  	v26 =	vperm.xlane v26, v16;
	v56 =	vld [tilespmem:s11+$0x60];
	v31 =	vmul.bf16 v31, v59  }
0x107: {  	v58 =	vld [tilespmem:s11+$0x70];
	v50 =	vmul.bf16 v63, v61;
	v32 =	vadd.bf16 v33, v32;
	v49 =	vadd.bf16 v45, v34  }
0x108: {  	v53 =	vld [tilespmem:s11+$0x50];
	v36 =	vperm.xlane v24, v7;
	v30 =	vmul.bf16 v30, v62  }
0x109: {  	v60 =	vld [tilespmem:s18+$0x70];
	v55 =	vmul.bf16 v47, v43;
	v31 =	vadd.bf16 v31, v32;
	v54 =	vadd.bf16 v50, v49  }
0x10a: {  	v61 =	vld [tilespmem:s18+$0x40];
	v29 =	vmul.bf16 v29, v46;
	v59 =	vmul.bf16 v52, v48  }
0x10b: {  	v63 =	vld [tilespmem:s18+$0x10];
	v28 =	vmul.bf16 v28, v51;
	v30 =	vadd.bf16 v30, v31;
	v31 =	vadd.bf16 v55, v54  }
0x10c: {  	v62 =	vld [tilespmem:s18+$0x60];
	v27 =	vmul.bf16 v27, v56;
	v26 =	vmul.bf16 v26, v58  }
0x10d: {  	v48 =	vld [tilespmem:s18+$0x0];
	v29 =	vadd.bf16 v29, v30;
	v30 =	vadd.bf16 v59, v31;
	v31 =	vmul.bf16 v57, v53  }
0x10e: {  	v47 =	vperm.xlane v18, v3;
	v49 =	vperm.xlane v24, v2  }
0x10f: {  	v50 =	vperm.xlane v24, v4;
	v28 =	vadd.bf16 v28, v29;
	v29 =	vadd.bf16 v31, v30  }
0x110: {  	v51 =	vunpack.i.u.bf16.f32 v60;
	v33 =	vunpack.i.l.bf16.f32 v60;
	v35 =	vunpack.i.l.bf16.f32 v61  }
0x111: {  	v34 =	vunpack.i.l.bf16.f32 v63;
	v27 =	vadd.bf16 v27, v28;
	v26 =	vadd.bf16 v26, v29  }
0x112: {  	v52 =	vunpack.i.u.bf16.f32 v62;
	v45 =	vunpack.i.u.bf16.f32 v48;
	v32 =	vunpack.i.l.bf16.f32 v62;
	v30 =	vld [tilespmem:s18+$0x30]  }
0x113: {  	v37 =	vunpack.i.l.bf16.f32 v48;
	v53 =	vunpack.i.u.bf16.f32 v63;
	v26 =	vadd.bf16 v26, v27  }
0x114: {  	v31 =	vunpack.i.u.bf16.f32 v25;
	v28 =	vunpack.i.u.bf16.f32 v61;
	v29 =	vld [tilespmem:s18+$0x20];
	v27 =	vperm.xlane v24, v0  }
0x115: {  	v24 =	vperm.xlane v24, v3;
	v44 =	vunpack.i.u.bf16.f32 v26;
	v26 =	vunpack.i.l.bf16.f32 v26  }
0x116: {  	v25 =	vunpack.i.l.bf16.f32 v25;
	v31 =	vmul.f32 v31, v44;
	v28 =	vmul.f32 v28, v26  }
0x117: {  	v54 =	vunpack.i.u.bf16.f32 v30;
	v25 =	vmul.f32 v25, v44;
	v41 =	vmul.f32 v52, v26  }
0x118: {  	v30 =	vunpack.i.l.bf16.f32 v30;
	v42 =	vmul.f32 v53, v44;
	v35 =	vmul.f32 v35, v26  }
0x119: {  	v46 =	vunpack.i.u.bf16.f32 v29;
	v45 =	vmul.f32 v45, v26;
	v34 =	vmul.f32 v34, v44  }
0x11a: {  	v29 =	vunpack.i.l.bf16.f32 v29;
	v37 =	vmul.f32 v37, v26;
	v30 =	vmul.f32 v30, v44  }
0x11b: {  	v33 =	vmul.f32 v33, v44;
	v29 =	vmul.f32 v29, v26;
	v28 =	vadd.f32 $0.0e+00, v28  }
0x11c: {  	v46 =	vmul.f32 v46, v26;
	v35 =	vadd.f32 $0.0e+00, v35;
	v41 =	vadd.f32 $0.0e+00, v41  }
0x11d: {  	v26 =	vmul.f32 v32, v26;
	v37 =	vadd.f32 $0.0e+00, v37;
	v45 =	vadd.f32 $0.0e+00, v45  }
0x11e: {  	v59 =	vmul.f32 v51, v44;
	v29 =	vadd.f32 $0.0e+00, v29;
	v46 =	vadd.f32 $0.0e+00, v46  }
0x11f: {  	v52 =	vperm.xlane v18, v6;
	v26 =	vadd.f32 $0.0e+00, v26;
	v55 =	vadd.f32 v34, v37  }
0x120: {  	v56 =	vld [tilespmem:s10+$0xFFFFFF80];
	v57 =	vadd.f32 v42, v45;
	v29 =	vadd.f32 v30, v29;
	v30 =	vmul.f32 v54, v44  }
0x121: {  	v58 =	vld [tilespmem:s10+$0xFFFFFF90];
	v25 =	vadd.f32 v25, v35;
	v28 =	vadd.f32 v31, v28;
	v27 =	vmul.f32 v55, v27  }
0x122: {  	v60 =	vld [tilespmem:s10+$0xFFFFFFB0];
	v26 =	vadd.f32 v33, v26;
	v30 =	vadd.f32 v30, v46;
	v24 =	vmul.f32 v29, v24  }
0x123: {  	v44 =	vperm.xlane v18, v0;
	v61 =	vmul.f32 v49, v57;
	v29 =	vld [tilespmem:s10+$0xFFFFFFA0];
	v27 =	vadd.f32 $0.0e+00, v27  }
0x124: {  	v48 =	vld [tilespmem:s11+$0xFFFFFF80];
	v25 =	vmul.f32 v25, v22;
	v62 =	vadd.f32 $0.0e+00, v24;
	v30 =	vmul.f32 v50, v30  }
0x125: {  	v63 =	vld [tilespmem:s10+$0xFFFFFFC0];
	v21 =	vmul.f32 v21, v28;
	v28 =	vperm.xlane v18, v2;
	v27 =	vadd.f32 v27, v61  }
0x126: {  	v31 =	vld [tilespmem:s10+$0xFFFFFFD0];
	v24 =	vmul.f32 v26, v36;
	v26 =	vadd.f32 v62, v30;
	v30 =	vmul.bf16 v44, v56  }
0x127: {  	v45 =	vld [tilespmem:s10+$0xFFFFFFE0];
	v25 =	vadd.f32 v25, v27;
	v27 =	vmul.bf16 v28, v58;
	v28 =	vperm.xlane v18, v4  }
0x128: {  	v46 =	vld [tilespmem:s10+$0xFFFFFFF0];
	v50 =	vperm.xlane v18, v5;
	v29 =	vmul.bf16 v47, v29;
	v30 =	vadd.bf16 v1, v30  }
0x129: {  	v51 =	vld [tilespmem:s11+$0xFFFFFFA0];
	v54 =	vperm.xlane v18, v7;
	v27 =	vadd.bf16 v1, v27;
	v28 =	vmul.bf16 v28, v60  }
0x12a: {  	v22 =	vadd.f32 v59, v41;
	v49 =	vld [tilespmem:s11+$0xFFFFFF90];
	v29 =	vadd.bf16 v29, v30;
	v30 =	vmul.bf16 v50, v63  }
0x12b: {  	v53 =	vld [tilespmem:s11+$0xFFFFFFB0];
	v27 =	vadd.bf16 v28, v27;
	v28 =	vmul.bf16 v52, v31;
	v31 =	vperm.xlane v18, v8  }
0x12c: {  	v55 =	vld [tilespmem:s18+$0xFFFFFF80];
	v57 =	vperm.xlane v18, v9;
	v29 =	vadd.bf16 v30, v29;
	v30 =	vmul.bf16 v54, v45  }
0x12d: {  	v59 =	vld [tilespmem:s11+$0xFFFFFFE0];
	v27 =	vadd.bf16 v28, v27;
	v28 =	vmul.bf16 v31, v46;
	v31 =	vperm.xlane v18, v10  }
0x12e: {  	v56 =	vld [tilespmem:s11+$0xFFFFFFC0];
	v60 =	vperm.xlane v18, v11;
	v29 =	vadd.bf16 v30, v29;
	v30 =	vmul.bf16 v57, v48  }
0x12f: {  	v58 =	vld [tilespmem:s11+$0xFFFFFFD0];
	v27 =	vadd.bf16 v28, v27;
	v28 =	vmul.bf16 v31, v49;
	v31 =	vperm.xlane v18, v12  }
0x130: {  	v61 =	vld [tilespmem:s18+$0xFFFFFFA0];
	v29 =	vadd.bf16 v30, v29;
	v30 =	vmul.bf16 v60, v51  }
0x131: {  	v62 =	vld [tilespmem:s11+$0xFFFFFFF0];
	v27 =	vadd.bf16 v28, v27;
	v28 =	vmul.bf16 v31, v53  }
0x132: {  	v52 =	vld [tilespmem:s18+$0xFFFFFFF0];
	v31 =	vperm.xlane v18, v13;
	v29 =	vadd.bf16 v30, v29;
	v30 =	vperm.xlane v18, v14  }
0x133: {  	v47 =	vperm.xlane v18, v15;
	v45 =	vld [tilespmem:s18+$0xFFFFFF90];
	v18 =	vperm.xlane v18, v16  }
0x134: {  	v46 =	vld [tilespmem:s18+$0xFFFFFFB0];
	v27 =	vadd.bf16 v28, v27;
	v28 =	vmul.bf16 v31, v56;
	v30 =	vmul.bf16 v30, v58  }
0x135: {  	v63 =	vunpack.i.l.bf16.f32 v55;
	v50 =	vunpack.i.l.bf16.f32 v61;
	v48 =	vld [tilespmem:s18+$0xFFFFFFC0];
	v49 =	vmul.bf16 v47, v59  }
0x136: {  	v18 =	vmul.bf16 v18, v62;
	v28 =	vadd.bf16 v28, v29;
	v27 =	vadd.bf16 v30, v27  }
0x137: {  	v34 =	vunpack.i.u.bf16.f32 v61;
	v59 =	vperm.xlane v17, v2;
	v47 =	vperm.xlane v17, v4;
	v51 =	vld [tilespmem:s18+$0xFFFFFFD0]  }
0x138: {  	v60 =	vunpack.i.l.bf16.f32 v52;
	v28 =	vadd.bf16 v49, v28;
	v18 =	vadd.bf16 v18, v27  }
0x139: {  	v37 =	vunpack.i.u.bf16.f32 v52;
	v52 =	vperm.xlane v17, v6;
	v32 =	vunpack.i.u.bf16.f32 v45  }
0x13a: {  	v53 =	vunpack.i.l.bf16.f32 v46;
	v54 =	vunpack.i.l.bf16.f32 v48;
	v18 =	vadd.bf16 v18, v28  }
0x13b: {  	v31 =	vld [tilespmem:s18+$0xFFFFFFE0];
	v56 =	vperm.xlane v17, v3;
	v29 =	vunpack.i.u.bf16.f32 v55;
	v55 =	vperm.xlane v17, v0  }
0x13c: {  	v58 =	vunpack.i.l.bf16.f32 v51;
	v61 =	vunpack.i.u.bf16.f32 v18;
	v18 =	vunpack.i.l.bf16.f32 v18  }
0x13d: {  	v36 =	vunpack.i.u.bf16.f32 v51;
	v49 =	vperm.xlane v17, v5;
	v41 =	vmul.f32 v63, v18  }
0x13e: {  	v30 =	vunpack.i.l.bf16.f32 v45;
	v35 =	vmul.f32 v50, v18;
	v29 =	vmul.f32 v29, v18  }
0x13f: {  	v27 =	vunpack.i.u.bf16.f32 v46;
	v30 =	vmul.f32 v30, v61;
	v34 =	vmul.f32 v34, v18  }
0x140: {  	v57 =	vunpack.i.l.bf16.f32 v31;
	v32 =	vmul.f32 v32, v61;
	v33 =	vmul.f32 v53, v61  }
0x141: {  	v28 =	vunpack.i.u.bf16.f32 v48;
	v27 =	vmul.f32 v27, v61;
	v62 =	vmul.f32 v54, v18  }
0x142: {  	v31 =	vunpack.i.u.bf16.f32 v31;
	v63 =	vmul.f32 v57, v18;
	v28 =	vmul.f32 v28, v18  }
0x143: {  	v43 =	vmul.f32 v58, v61;
	v41 =	vadd.f32 $0.0e+00, v41;
	v35 =	vadd.f32 $0.0e+00, v35  }
0x144: {  	v18 =	vmul.f32 v31, v18;
	v29 =	vadd.f32 $0.0e+00, v29;
	v34 =	vadd.f32 $0.0e+00, v34  }
0x145: {  	v31 =	vmul.f32 v60, v61;
	v40 =	vadd.f32 $0.0e+00, v62;
	v30 =	vadd.f32 v30, v41  }
0x146: {  	v48 =	vmul.f32 v36, v61;
	v28 =	vadd.f32 $0.0e+00, v28;
	v18 =	vadd.f32 $0.0e+00, v18  }
0x147: {  	v33 =	vadd.f32 v33, v35;
	v29 =	vadd.f32 v32, v29;
	v30 =	vmul.f32 v30, v55  }
0x148: {  	v50 =	vmul.f32 v37, v61;
	v27 =	vadd.f32 v27, v34;
	v41 =	vadd.f32 $0.0e+00, v63  }
0x149: {  	v39 =	vmul.f32 v33, v56;
	v29 =	vmul.f32 v59, v29;
	v30 =	vadd.f32 $0.0e+00, v30  }
0x14a: {  	v27 =	vmul.f32 v47, v27;
	v33 =	vadd.f32 v43, v40;
	v31 =	vadd.f32 v31, v41  }
0x14b: {  	v32 =	vadd.f32 $0.0e+00, v39;
	v29 =	vadd.f32 v30, v29;
	v30 =	vperm.xlane v17, v7  }
0x14c: {  	v28 =	vadd.f32 v48, v28;
	v18 =	vadd.f32 v50, v18;
	v51 =	vmul.f32 v33, v49  }
0x14d: {  	v27 =	vadd.f32 v32, v27;
	v17 =	vperm.xlane v17, v8;
	v30 =	vmul.f32 v31, v30  }
0x14e: {  	v19 =	vmul.f32 v19, v22;
	v24 =	vadd.f32 v24, v26;
	v26 =	vmul.f32 v52, v28  }
0x14f: {  	v22 =	vadd.f32 v51, v29;
	v17 =	vmul.f32 v17, v18;
	v27 =	vadd.f32 v30, v27  }
0x150: {  	v19 =	vadd.f32 v24, v19;
	v18 =	vadd.f32 v25, v21  }
0x151: {  	v21 =	vadd.f32 v22, v26;
	v17 =	vadd.f32 v27, v17  }
0x152: {  	v18 =	vadd.f32 v19, v18  }
0x153: {  	(xrf2) =	vadd.scan.msk.f32 $0xffff, v23;
	v17 =	vadd.f32 v17, v21  }
0x154: {  	(xrf2) =	vadd.scan.msk.f32 $0xffff, v18  }
0x155: {  	(xrf2) =	vadd.scan.msk.f32 $0xffff, v17;
	_ =	sdelay $0x2  }
0x156: {  	v17 =	vmov s17  }
0x157: {  	s18 =	sadd.s32 $0x1, s17;
	v17 =	vand.u32 $0xFFFFFFFE, v17  }
0x158: {  	v18 =	vmov s18;
	v17 =	vbroadcast v17, $0x0;
	_ =	sdelay $0x2  }
0x159: {  	v19, _, _ =	vpop (xrf2)  }
0x15a: {  	s24 =	sor.u32 s7, s23;
	[tilespmem:v20+s0+$0x0] =	vst.idx.msk vm0, v19;
	v21, _, _ =	vpop (xrf2)  }
0x15b: {  	s10 =	sshrl.u32 s24, $0x3;
	[tilespmem:v18+s0+$0x0] =	vst.idx.msk vm0, v21;
	v18, _, _ =	vpop (xrf2)  }
0x15c: {  	s10 =	sadd.s32 s2, s10;
	[tilespmem:v17+s0+$0x0] =	vst.idx.msk vm0, v18  }
0x15d: {  	[hbm4b:s10+s4] =	stream.linear.scatter [tilespmem:s0], [sflag:$0x3], $0x80, $0x38;
	[tilespmem:$0x1E080] =	vst v63  }
0x15e: {  	p0 =	seq.s32 s21, $0xF;
	_ =	swait.ge [sflag:s15], $0x80  }
0x15f: {  	s12 =	simm.s32 @!p0 $0x4000;
	[sflag:s15] =	ssyncset.done $0x0  }
0x160: {  	s11 =	simm.s32 @!p0 $0x80;
	s10 =	sadd.s32 @!p0 $0x100, s23;
	[sflag:s15] =	ssyncadd.s32 $0xFFFFFF80  }
0x161: {  	[tilespmem:s12], [sflag:$0x1] =	stream.indirect.gather @!p0 [hbm4b:s1+s11], $0x10, s10, s11, $0xb8;
	[tilespmem:$0x1E080] =	vst v63  }
0x162: {  	s10 =	sadd.s32 @!p0 $0x1100, s23;
	s12 =	simm.s32 @!p0 $0x4800  }
0x163: {  	[tilespmem:s12], [sflag:$0x1] =	stream.indirect.gather @!p0 [hbm4b:s5+s11], $0x80, s10, s11, $0xb8;
	[tilespmem:$0x1E080] =	vst v63  }
0x164: {  	s12 =	simm.s32 @!p0 $0x8800  }
0x165: {  	[tilespmem:s12], [sflag:$0x1] =	stream.indirect.gather @!p0 [hbm4b:s6+s11], $0x80, s10, s11, $0xb8;
	[tilespmem:$0x1E080] =	vst v63  }
0x166: {  	s10 =	sadd.s32 @!p0 $0x2100, s23;
	s12 =	simm.s32 @!p0 $0xC800  }
0x167: {  	[tilespmem:s12], [sflag:$0x1] =	stream.indirect.gather @!p0 [hbm4b:s8+s11], $0x80, s10, s11, $0xb8;
	[tilespmem:$0x1E080] =	vst v63  }
0x168: {  	s10 =	sadd.s32 @!p0 $0x3100, s23;
	s12 =	simm.s32 @!p0 $0x10800  }
0x169: {  	[tilespmem:s12], [sflag:$0x1] =	stream.indirect.gather @!p0 [hbm4b:s9+s11], $0x10, s10, s11, $0xb8;
	[tilespmem:$0x1E080] =	vst v63  }
0x16a: {  	_ =	swait.ge [sflag:s3], $0x800  }
0x16b: {  	[sflag:s3] =	ssyncset.done $0x0  }
0x16c: {  	[sflag:s3] =	ssyncadd.s32 $0xFFFFF800  }
0x16d: {  	_ =	swait.ge [sflag:s3], $0x4000  }
0x16e: {  	[sflag:s3] =	ssyncset.done $0x0  }
0x16f: {  	[sflag:s3] =	ssyncadd.s32 $0xFFFFC000  }
0x170: {  	_ =	swait.ge [sflag:s3], $0x4000  }
0x171: {  	[sflag:s3] =	ssyncset.done $0x0  }
0x172: {  	[sflag:s3] =	ssyncadd.s32 $0xFFFFC000  }
0x173: {  	_ =	swait.ge [sflag:s3], $0x4000  }
0x174: {  	[sflag:s3] =	ssyncset.done $0x0  }
0x175: {  	[sflag:s3] =	ssyncadd.s32 $0xFFFFC000  }
0x176: {  	_ =	swait.ge [sflag:s3], $0x800  }
0x177: {  	[sflag:s3] =	ssyncset.done $0x0  }
0x178: {  	s13 =	simm.s32 $0x1D810;
	[sflag:s3] =	ssyncadd.s32 $0xFFFFF800  }
0x179: {  	v18 =	vld [tilespmem:s13+$0x0]  }
0x17a: {  	s11 =	simm.s32 $0x11010  }
0x17b: {  	v21 =	vld [tilespmem:s11+$0x0];
	_ =	sdelay $0x1  }
0x17c: {  	s14 =	simm.s32 $0x19880  }
0x17d: {  	s17 =	simm.s32 $0x11880;
	v22 =	vld [tilespmem:s14+$0x50];
	v19 =	vperm.xlane v18, v6  }
0x17e: {  	v23 =	vld [tilespmem:s17+$0x0];
	v20 =	vperm.xlane v18, v5;
	v17 =	vperm.xlane v18, v8  }
0x17f: {  	v24 =	vld [tilespmem:s17+$0x10];
	v25 =	vperm.xlane v21, v13;
	v26 =	vperm.xlane v21, v15  }
0x180: {  	v27 =	vld [tilespmem:s17+$0x20];
	v28 =	vperm.xlane v21, v9;
	v29 =	vperm.xlane v21, v11  }
0x181: {  	v30 =	vld [tilespmem:s17+$0x30];
	v31 =	vperm.xlane v21, v5;
	v53 =	vperm.xlane v21, v7  }
0x182: {  	v56 =	vld [tilespmem:s17+$0x40];
	v54 =	vperm.xlane v21, v0;
	v55 =	vperm.xlane v21, v2  }
0x183: {  	v59 =	vld [tilespmem:s17+$0x50];
	v57 =	vperm.xlane v21, v3;
	v58 =	vperm.xlane v21, v4  }
0x184: {  	v60 =	vld [tilespmem:s17+$0x60];
	v23 =	vmul.bf16 v54, v23;
	v24 =	vmul.bf16 v55, v24  }
0x185: {  	s23 =	simm.s32 $0x15880;
	v62 =	vld [tilespmem:s17+$0x70];
	v61 =	vperm.xlane v21, v6;
	v27 =	vmul.bf16 v57, v27  }
0x186: {  	v63 =	vld [tilespmem:s23+$0x0];
	v30 =	vmul.bf16 v58, v30;
	v23 =	vadd.bf16 v1, v23;
	v24 =	vadd.bf16 v1, v24  }
0x187: {  	v43 =	vld [tilespmem:s23+$0x10];
	v42 =	vperm.xlane v21, v8;
	v31 =	vmul.bf16 v31, v56  }
0x188: {  	v23 =	vadd.bf16 v27, v23;
	v24 =	vadd.bf16 v30, v24;
	v27 =	vmul.bf16 v61, v59;
	v30 =	vld [tilespmem:s23+$0x20]  }
0x189: {  	v45 =	vld [tilespmem:s23+$0x30];
	v44 =	vperm.xlane v21, v10;
	v32 =	vmul.bf16 v53, v60  }
0x18a: {  	v23 =	vadd.bf16 v31, v23;
	v24 =	vadd.bf16 v27, v24;
	v27 =	vmul.bf16 v42, v62;
	v31 =	vld [tilespmem:s23+$0x40]  }
0x18b: {  	v47 =	vld [tilespmem:s23+$0x50];
	v46 =	vperm.xlane v21, v12;
	v28 =	vmul.bf16 v28, v63  }
0x18c: {  	v48 =	vld [tilespmem:s23+$0x60];
	v23 =	vadd.bf16 v32, v23;
	v24 =	vadd.bf16 v27, v24;
	v27 =	vmul.bf16 v44, v43  }
0x18d: {  	v49 =	vld [tilespmem:s23+$0x70];
	v29 =	vmul.bf16 v29, v30;
	v30 =	vperm.xlane v21, v14  }
0x18e: {  	v23 =	vadd.bf16 v28, v23;
	v24 =	vadd.bf16 v27, v24;
	v27 =	vmul.bf16 v46, v45  }
0x18f: {  	v21 =	vperm.xlane v21, v16;
	v28 =	vld [tilespmem:s14+$0x70];
	v25 =	vmul.bf16 v25, v31  }
0x190: {  	v31 =	vld [tilespmem:s14+$0x40];
	v23 =	vadd.bf16 v29, v23;
	v24 =	vadd.bf16 v27, v24;
	v27 =	vmul.bf16 v30, v47  }
0x191: {  	v50 =	vunpack.i.u.bf16.f32 v22;
	v51 =	vperm.xlane v18, v7;
	v26 =	vmul.bf16 v26, v48;
	v29 =	vld [tilespmem:s14+$0x60]  }
0x192: {  	v21 =	vmul.bf16 v21, v49;
	v30 =	vld [tilespmem:s14+$0x10];
	v23 =	vadd.bf16 v25, v23;
	v24 =	vadd.bf16 v27, v24  }
0x193: {  	v52 =	vperm.xlane v18, v2;
	v22 =	vunpack.i.l.bf16.f32 v22;
	v53 =	vperm.xlane v18, v4;
	v25 =	vld [tilespmem:s14+$0x30]  }
0x194: {  	v56 =	vperm.xlane v18, v3;
	v27 =	vld [tilespmem:s14+$0x0];
	v23 =	vadd.bf16 v26, v23;
	v21 =	vadd.bf16 v21, v24  }
0x195: {  	v54 =	vunpack.i.u.bf16.f32 v28;
	v28 =	vunpack.i.l.bf16.f32 v28;
	v24 =	vunpack.i.u.bf16.f32 v31  }
0x196: {  	v26 =	vld [tilespmem:s14+$0x20];
	v31 =	vunpack.i.l.bf16.f32 v31;
	v55 =	vunpack.i.u.bf16.f32 v29;
	v21 =	vadd.bf16 v21, v23  }
0x197: {  	v29 =	vunpack.i.l.bf16.f32 v29;
	v23 =	vperm.xlane v18, v0;
	v18 =	vunpack.i.u.bf16.f32 v30  }
0x198: {  	v30 =	vunpack.i.l.bf16.f32 v30;
	v57 =	vunpack.i.u.bf16.f32 v25;
	v58 =	vunpack.i.u.bf16.f32 v21  }
0x199: {  	v59 =	vunpack.i.u.bf16.f32 v27;
	v21 =	vunpack.i.l.bf16.f32 v21;
	v32 =	vmul.f32 v50, v58  }
0x19a: {  	v27 =	vunpack.i.l.bf16.f32 v27;
	v24 =	vmul.f32 v24, v21;
	v37 =	vmul.f32 v55, v21  }
0x19b: {  	v60 =	vunpack.i.u.bf16.f32 v26;
	v61 =	vmul.f32 v18, v58;
	v18 =	vmul.f32 v31, v21  }
0x19c: {  	v31 =	vmul.f32 v59, v21;
	v26 =	vunpack.i.l.bf16.f32 v26;
	v27 =	vmul.f32 v27, v21  }
0x19d: {  	v25 =	vunpack.i.l.bf16.f32 v25;
	v30 =	vmul.f32 v30, v58;
	v26 =	vmul.f32 v26, v21  }
0x19e: {  	v62 =	vmul.f32 v60, v21;
	v24 =	vadd.f32 $0.0e+00, v24;
	v63 =	vadd.f32 $0.0e+00, v18  }
0x19f: {  	v21 =	vmul.f32 v29, v21;
	v18 =	vadd.f32 $0.0e+00, v27;
	v27 =	vadd.f32 $0.0e+00, v37  }
0x1a0: {  	v36 =	vmul.f32 v54, v58;
	v31 =	vadd.f32 $0.0e+00, v31;
	v26 =	vadd.f32 $0.0e+00, v26  }
0x1a1: {  	v22 =	vmul.f32 v22, v58;
	v21 =	vadd.f32 $0.0e+00, v21;
	v29 =	vadd.f32 v30, v18  }
0x1a2: {  	v25 =	vmul.f32 v25, v58;
	v30 =	vadd.f32 $0.0e+00, v62;
	v31 =	vadd.f32 v61, v31  }
0x1a3: {  	v28 =	vmul.f32 v28, v58;
	v22 =	vadd.f32 v22, v63;
	v24 =	vadd.f32 v32, v24  }
0x1a4: {  	v18 =	vld [tilespmem:s13+$0xFFFFFFF0];
	v27 =	vadd.f32 v36, v27;
	v25 =	vadd.f32 v25, v26;
	v26 =	vmul.f32 v57, v58  }
0x1a5: {  	v21 =	vadd.f32 v28, v21;
	v23 =	vmul.f32 v29, v23;
	v29 =	vld [tilespmem:s11+$0xFFFFFFF0];
	v31 =	vmul.f32 v52, v31  }
0x1a6: {  	v41 =	vld [tilespmem:s14+$0xFFFFFF80];
	v20 =	vmul.f32 v22, v20;
	v26 =	vadd.f32 v26, v30;
	v25 =	vmul.f32 v25, v56  }
0x1a7: {  	v19 =	vmul.f32 v19, v24;
	v17 =	vmul.f32 v17, v27;
	v30 =	vld [tilespmem:s17+$0xFFFFFF80];
	v23 =	vadd.f32 $0.0e+00, v23  }
0x1a8: {  	v28 =	vld [tilespmem:s17+$0xFFFFFF90];
	v21 =	vmul.f32 v21, v51;
	v25 =	vadd.f32 $0.0e+00, v25;
	v26 =	vmul.f32 v53, v26  }
0x1a9: {  	v51 =	vperm.xlane v18, v0;
	v52 =	vperm.xlane v18, v3;
	v22 =	vadd.f32 v23, v31;
	v23 =	vld [tilespmem:s17+$0xFFFFFFA0]  }
0x1aa: {  	v42 =	vld [tilespmem:s17+$0xFFFFFFE0];
	v55 =	vperm.xlane v18, v2;
	v31 =	vperm.xlane v29, v0  }
0x1ab: {  	v25 =	vadd.f32 v25, v26;
	v26 =	vld [tilespmem:s17+$0xFFFFFFB0];
	v24 =	vperm.xlane v29, v2;
	v20 =	vadd.f32 v20, v22  }
0x1ac: {  	v22 =	vld [tilespmem:s17+$0xFFFFFFC0];
	v27 =	vmul.bf16 v31, v30;
	v31 =	vperm.xlane v29, v3  }
0x1ad: {  	v21 =	vadd.f32 v21, v25;
	v25 =	vld [tilespmem:s17+$0xFFFFFFD0];
	v19 =	vadd.f32 v20, v19;
	v20 =	vmul.bf16 v24, v28  }
0x1ae: {  	v43 =	vld [tilespmem:s23+$0xFFFFFF80];
	v24 =	vperm.xlane v29, v4;
	v27 =	vadd.bf16 v1, v27;
	v23 =	vmul.bf16 v31, v23  }
0x1af: {  	v28 =	vld [tilespmem:s17+$0xFFFFFFF0];
	v31 =	vperm.xlane v29, v5;
	v17 =	vadd.f32 v21, v17;
	v20 =	vadd.bf16 v1, v20  }
0x1b0: {  	v44 =	vld [tilespmem:s23+$0xFFFFFF90];
	v24 =	vmul.bf16 v24, v26;
	v26 =	vperm.xlane v29, v6;
	v23 =	vadd.bf16 v23, v27  }
0x1b1: {  	v45 =	vld [tilespmem:s23+$0xFFFFFFC0];
	v22 =	vmul.bf16 v31, v22;
	v27 =	vperm.xlane v29, v7;
	v17 =	vadd.f32 v17, v19  }
0x1b2: {  	v31 =	vld [tilespmem:s23+$0xFFFFFFA0];
	v20 =	vadd.bf16 v24, v20;
	v24 =	vmul.bf16 v26, v25;
	v25 =	vperm.xlane v29, v8  }
0x1b3: {  	v26 =	vld [tilespmem:s23+$0xFFFFFFB0];
	v22 =	vadd.bf16 v22, v23;
	v23 =	vmul.bf16 v27, v42;
	v27 =	vperm.xlane v29, v9  }
0x1b4: {  	v47 =	vld [tilespmem:s14+$0xFFFFFF90];
	v20 =	vadd.bf16 v24, v20;
	v21 =	vmul.bf16 v25, v28;
	v25 =	vperm.xlane v29, v10  }
0x1b5: {  	v19 =	vperm.xlane v29, v11;
	v24 =	vld [tilespmem:s23+$0xFFFFFFD0];
	v22 =	vadd.bf16 v23, v22;
	v23 =	vmul.bf16 v27, v43  }
0x1b6: {  	v28 =	vperm.xlane v29, v12;
	v27 =	vld [tilespmem:s23+$0xFFFFFFE0];
	v20 =	vadd.bf16 v21, v20;
	v25 =	vmul.bf16 v25, v44  }
0x1b7: {  	v46 =	vperm.xlane v29, v13;
	v19 =	vmul.bf16 v19, v31;
	v22 =	vadd.bf16 v23, v22;
	v23 =	vld [tilespmem:s23+$0xFFFFFFF0]  }
0x1b8: {  	v48 =	vld [tilespmem:s14+$0xFFFFFFC0];
	v20 =	vadd.bf16 v25, v20;
	v25 =	vmul.bf16 v28, v26;
	v26 =	vperm.xlane v29, v14  }
0x1b9: {  	v32 =	vmul.bf16 v46, v45;
	v21 =	vld [tilespmem:s14+$0xFFFFFFA0];
	v19 =	vadd.bf16 v19, v22;
	v22 =	vperm.xlane v29, v15  }
0x1ba: {  	v28 =	vld [tilespmem:s14+$0xFFFFFFB0];
	v20 =	vadd.bf16 v25, v20;
	v25 =	vperm.xlane v29, v16;
	v24 =	vmul.bf16 v26, v24  }
0x1bb: {  	v49 =	vunpack.i.l.bf16.f32 v47;
	v58 =	vperm.xlane v18, v4;
	v26 =	vld [tilespmem:s14+$0xFFFFFFE0];
	v22 =	vmul.bf16 v22, v27  }
0x1bc: {  	s18 =	simm.s32 $0x1;
	v29 =	vld [tilespmem:s14+$0xFFFFFFD0];
	v19 =	vadd.bf16 v32, v19;
	v23 =	vmul.bf16 v25, v23;
	v20 =	vadd.bf16 v24, v20  }
0x1bd: {  	v61 =	vperm.xlane v18, v8;
	v30 =	vunpack.i.l.bf16.f32 v41;
	v31 =	vmov s18  }
0x1be: {  	v27 =	vunpack.i.l.bf16.f32 v21;
	v19 =	vadd.bf16 v22, v19;
	v20 =	vadd.bf16 v23, v20  }
0x1bf: {  	v21 =	vunpack.i.u.bf16.f32 v21;
	v25 =	vunpack.i.u.bf16.f32 v41;
	v22 =	vunpack.i.u.bf16.f32 v47  }
0x1c0: {  	v24 =	vld [tilespmem:s14+$0xFFFFFFF0];
	v50 =	vunpack.i.l.bf16.f32 v28;
	v23 =	vunpack.i.u.bf16.f32 v28;
	v19 =	vadd.bf16 v20, v19  }
0x1c1: {  	v28 =	vunpack.i.l.bf16.f32 v48;
	v53 =	vunpack.i.l.bf16.f32 v26;
	v54 =	vunpack.i.l.bf16.f32 v29  }
0x1c2: {  	v26 =	vunpack.i.u.bf16.f32 v26;
	v29 =	vunpack.i.u.bf16.f32 v29;
	v57 =	vunpack.i.l.bf16.f32 v19  }
0x1c3: {  	v19 =	vunpack.i.u.bf16.f32 v19;
	v30 =	vmul.f32 v30, v57;
	v27 =	vmul.f32 v27, v57  }
0x1c4: {  	v20 =	vunpack.i.u.bf16.f32 v48;
	v25 =	vmul.f32 v25, v57;
	v32 =	vmul.f32 v49, v19  }
0x1c5: {  	v56 =	vunpack.i.l.bf16.f32 v24;
	v21 =	vmul.f32 v21, v57;
	v33 =	vmul.f32 v50, v19  }
0x1c6: {  	v24 =	vunpack.i.u.bf16.f32 v24;
	v22 =	vmul.f32 v22, v19;
	v20 =	vmul.f32 v20, v57  }
0x1c7: {  	v26 =	vmul.f32 v26, v57;
	v30 =	vadd.f32 $0.0e+00, v30;
	v27 =	vadd.f32 $0.0e+00, v27  }
0x1c8: {  	v23 =	vmul.f32 v23, v19;
	v25 =	vadd.f32 $0.0e+00, v25;
	v21 =	vadd.f32 $0.0e+00, v21  }
0x1c9: {  	v28 =	vmul.f32 v28, v57;
	v20 =	vadd.f32 $0.0e+00, v20;
	v26 =	vadd.f32 $0.0e+00, v26  }
0x1ca: {  	v59 =	vmul.f32 v53, v57;
	v30 =	vadd.f32 v32, v30;
	v27 =	vadd.f32 v33, v27  }
0x1cb: {  	v60 =	vmul.f32 v56, v19;
	v22 =	vadd.f32 v22, v25;
	v21 =	vadd.f32 v23, v21  }
0x1cc: {  	v25 =	vmul.f32 v30, v51;
	v23 =	vmul.f32 v27, v52;
	v27 =	vadd.f32 $0.0e+00, v28  }
0x1cd: {  	(xrf2) =	vadd.scan.msk.f32 $0xffff, v17;
	v28 =	vadd.f32 $0.0e+00, v59;
	v30 =	vmul.f32 v54, v19;
	v22 =	vmul.f32 v55, v22  }
0x1ce: {  	v21 =	vmul.f32 v58, v21;
	v25 =	vadd.f32 $0.0e+00, v25;
	v23 =	vadd.f32 $0.0e+00, v23  }
0x1cf: {  	s24 =	simm.s32 $0x0;
	s11 =	simm.s32 $0x1D830;
	v17 =	vadd.f32 v30, v27;
	v27 =	vmul.f32 v29, v19;
	v28 =	vadd.f32 v60, v28  }
0x1d0: {  	v29 =	vperm.xlane v18, v5;
	v19 =	vmul.f32 v24, v19;
	v24 =	vld [tilespmem:s11+$0x0];
	v30 =	vmov s24  }
0x1d1: {  	s12 =	simm.s32 $0x11030;
	v22 =	vadd.f32 v25, v22;
	v25 =	vperm.xlane v18, v7;
	v20 =	vadd.f32 v27, v20  }
0x1d2: {  	s10 =	simm.s32 $0x11980;
	v27 =	vmul.f32 v17, v29;
	v19 =	vadd.f32 v19, v26;
	v26 =	vld [tilespmem:s12+$0x0];
	v29 =	vperm.xlane v18, v6  }
0x1d3: {  	v34 =	vld [tilespmem:s10+$0x10];
	v23 =	vadd.f32 v23, v21;
	v28 =	vmul.f32 v28, v25;
	v25 =	vand.u32 $0xFFFFFFFE, v30  }
0x1d4: {  	v35 =	vld [tilespmem:s10+$0x30];
	v29 =	vmul.f32 v29, v20;
	v27 =	vadd.f32 v27, v22;
	v30 =	vmul.f32 v61, v19  }
0x1d5: {  	v37 =	vld [tilespmem:s10+$0x40];
	v20 =	vbroadcast v25, $0x0;
	v21 =	vperm.xlane v24, v6;
	v23 =	vadd.f32 v28, v23  }
0x1d6: {  	v36 =	vld [tilespmem:s10+$0x20];
	v22 =	vperm.xlane v24, v5;
	v19 =	vperm.xlane v24, v8;
	v62 =	vadd.f32 v27, v29  }
0x1d7: {  	v63, _, _ =	vpop (xrf2);
	v32 =	vld [tilespmem:s10+$0x0];
	v28 =	vperm.xlane v26, v13;
	v27 =	vperm.xlane v26, v15;
	v23 =	vadd.f32 v23, v30  }
0x1d8: {  	[tilespmem:v31+s0+$0x0] =	vst.idx.msk vm0, v63;
	v17 =	vld [tilespmem:s11+$0xFFFFFFF0];
	v29 =	vperm.xlane v26, v11;
	v33 =	vperm.xlane v26, v5  }
0x1d9: {  	s18 =	simm.s32 $0x19980;
	v18 =	vld [tilespmem:s12+$0xFFFFFFF0];
	v31 =	vperm.xlane v26, v7;
	v38 =	vperm.xlane v26, v0;
	v23 =	vadd.f32 v23, v62  }
0x1da: {  	s13 =	simm.s32 $0x4;
	s17 =	simm.s32 $0x2;
	v25 =	vld [tilespmem:s18+$0x50];
	v39 =	vperm.xlane v26, v2;
	v30 =	vperm.xlane v26, v9  }
.LBB2_5:
0x1db: {  	p0 =	slt.u32 s13, $0x7E;
	v40 =	vperm.xlane v26, v3;
	v41 =	vperm.xlane v26, v4;
	v42 =	vld [tilespmem:s10+$0x50];
	(xrf2) =	vadd.scan.msk.f32 $0xffff, v23  }
0x1dc: {  	v23 =	vmul.bf16 v38, v32;
	v32 =	vmul.bf16 v39, v34;
	v34 =	vld [tilespmem:s10+$0x60]  }
0x1dd: {  	s23 =	sadd.s32 $0x100, s23;
	v38 =	vperm.xlane v26, v6;
	v36 =	vmul.bf16 v40, v36;
	v39 =	vld [tilespmem:s10+$0x70]  }
0x1de: {  	v23 =	vadd.bf16 v1, v23;
	v32 =	vadd.bf16 v1, v32;
	v35 =	vmul.bf16 v41, v35;
	v40 =	vld [tilespmem:s23+$0x0]  }
0x1df: {  	v33 =	vmul.bf16 v33, v37;
	v37 =	vperm.xlane v26, v8;
	v41 =	vld [tilespmem:s23+$0x10]  }
0x1e0: {  	v23 =	vadd.bf16 v36, v23;
	v32 =	vadd.bf16 v35, v32;
	v35 =	vmul.bf16 v38, v42;
	v36 =	vld [tilespmem:s23+$0x20]  }
0x1e1: {  	v31 =	vmul.bf16 v31, v34;
	v34 =	vperm.xlane v26, v10;
	v38 =	vld [tilespmem:s23+$0x30]  }
0x1e2: {  	v23 =	vadd.bf16 v33, v23;
	v32 =	vadd.bf16 v35, v32;
	v33 =	vmul.bf16 v37, v39;
	v35 =	vld [tilespmem:s23+$0x40]  }
0x1e3: {  	v37 =	vperm.xlane v26, v12;
	v30 =	vmul.bf16 v30, v40;
	v39 =	vld [tilespmem:s23+$0x50]  }
0x1e4: {  	v23 =	vadd.bf16 v31, v23;
	v31 =	vadd.bf16 v33, v32;
	v32 =	vmul.bf16 v34, v41;
	v33 =	vld [tilespmem:s23+$0x60]  }
0x1e5: {  	v34 =	vperm.xlane v26, v14;
	v29 =	vmul.bf16 v29, v36;
	v36 =	vld [tilespmem:s23+$0x70];
	v40, _, _ =	vpop (xrf2)  }
0x1e6: {  	v23 =	vadd.bf16 v30, v23;
	v30 =	vadd.bf16 v32, v31;
	v31 =	vmul.bf16 v37, v38;
	v32 =	vld [tilespmem:s18+$0x70]  }
0x1e7: {  	v26 =	vperm.xlane v26, v16;
	v28 =	vmul.bf16 v28, v35;
	v35 =	vld [tilespmem:s18+$0x40];
	[tilespmem:v20+s0+$0x0] =	vst.idx.msk vm0, v40  }
0x1e8: {  	v20 =	vadd.bf16 v29, v23;
	v23 =	vadd.bf16 v31, v30;
	v29 =	vmul.bf16 v34, v39;
	v30 =	vld [tilespmem:s18+$0x60]  }
0x1e9: {  	v34 =	vperm.xlane v24, v7;
	v27 =	vmul.bf16 v27, v33;
	v31 =	vld [tilespmem:s18+$0x10];
	v33 =	vunpack.i.u.bf16.f32 v25  }
0x1ea: {  	v20 =	vadd.bf16 v28, v20;
	v23 =	vadd.bf16 v29, v23;
	v26 =	vmul.bf16 v26, v36;
	v28 =	vld [tilespmem:s18+$0x30]  }
0x1eb: {  	v37 =	vperm.xlane v24, v4;
	v36 =	vperm.xlane v24, v2;
	v29 =	vld [tilespmem:s18+$0x0];
	v38 =	vunpack.i.u.bf16.f32 v32  }
0x1ec: {  	v39 =	vld [tilespmem:s10+$0xFFFFFF80];
	v20 =	vadd.bf16 v27, v20;
	v23 =	vadd.bf16 v26, v23;
	v26 =	vunpack.i.u.bf16.f32 v35  }
0x1ed: {  	v25 =	vunpack.i.l.bf16.f32 v25;
	v32 =	vunpack.i.l.bf16.f32 v32;
	v27 =	vld [tilespmem:s18+$0x20];
	v40 =	vunpack.i.u.bf16.f32 v30  }
0x1ee: {  	v41 =	vld [tilespmem:s10+$0xFFFFFF90];
	v20 =	vadd.bf16 v23, v20;
	v23 =	vperm.xlane v24, v0;
	v24 =	vperm.xlane v24, v3  }
0x1ef: {  	v35 =	vunpack.i.l.bf16.f32 v35;
	v43 =	vunpack.i.u.bf16.f32 v31;
	v42 =	vld [tilespmem:s10+$0xFFFFFFA0];
	v44 =	vunpack.i.u.bf16.f32 v28  }
0x1f0: {  	v30 =	vunpack.i.l.bf16.f32 v30;
	v45 =	vld [tilespmem:s10+$0xFFFFFFB0];
	v46 =	vunpack.i.u.bf16.f32 v20;
	v47 =	vunpack.i.u.bf16.f32 v29  }
0x1f1: {  	v31 =	vunpack.i.l.bf16.f32 v31;
	v20 =	vunpack.i.l.bf16.f32 v20;
	v48 =	vld [tilespmem:s10+$0xFFFFFFC0];
	v33 =	vmul.f32 v33, v46  }
0x1f2: {  	v26 =	vmul.f32 v26, v20;
	v38 =	vmul.f32 v38, v46;
	v49 =	vld [tilespmem:s10+$0xFFFFFFD0];
	v50 =	vunpack.i.u.bf16.f32 v27  }
0x1f3: {  	v28 =	vunpack.i.l.bf16.f32 v28;
	v25 =	vmul.f32 v25, v46;
	v40 =	vmul.f32 v40, v20;
	v51 =	vld [tilespmem:s10+$0xFFFFFFE0]  }
0x1f4: {  	v29 =	vunpack.i.l.bf16.f32 v29;
	v43 =	vmul.f32 v43, v46;
	v35 =	vmul.f32 v35, v20;
	v52 =	vld [tilespmem:s10+$0xFFFFFFF0]  }
0x1f5: {  	v47 =	vmul.f32 v47, v20;
	v31 =	vmul.f32 v31, v46;
	v27 =	vunpack.i.l.bf16.f32 v27;
	v53 =	vld [tilespmem:s23+$0xFFFFFF80]  }
0x1f6: {  	v29 =	vmul.f32 v29, v20;
	v27 =	vmul.f32 v27, v20;
	v26 =	vadd.f32 $0.0e+00, v26;
	v54 =	vld [tilespmem:s23+$0xFFFFFF90]  }
0x1f7: {  	v50 =	vmul.f32 v50, v20;
	v35 =	vadd.f32 $0.0e+00, v35;
	v40 =	vadd.f32 $0.0e+00, v40;
	v55 =	vld [tilespmem:s23+$0xFFFFFFA0]  }
0x1f8: {  	v28 =	vmul.f32 v28, v46;
	v29 =	vadd.f32 $0.0e+00, v29;
	v27 =	vadd.f32 $0.0e+00, v27;
	v56 =	vld [tilespmem:s23+$0xFFFFFFB0]  }
0x1f9: {  	v47 =	vadd.f32 $0.0e+00, v47;
	v20 =	vmul.f32 v30, v20;
	v50 =	vadd.f32 $0.0e+00, v50;
	v57 =	vld [tilespmem:s23+$0xFFFFFFC0]  }
0x1fa: {  	v29 =	vadd.f32 v31, v29;
	v27 =	vadd.f32 v28, v27;
	v28 =	vmul.f32 v44, v46;
	v30 =	vld [tilespmem:s23+$0xFFFFFFD0]  }
0x1fb: {  	v32 =	vmul.f32 v32, v46;
	v43 =	vadd.f32 v43, v47;
	v20 =	vadd.f32 $0.0e+00, v20;
	v31 =	vld [tilespmem:s23+$0xFFFFFFE0]  }
0x1fc: {  	v23 =	vmul.f32 v29, v23;
	v28 =	vadd.f32 v28, v50;
	v24 =	vmul.f32 v27, v24;
	v44 =	vld [tilespmem:s23+$0xFFFFFFF0]  }
0x1fd: {  	v25 =	vadd.f32 v25, v35;
	v29 =	vmul.f32 v36, v43;
	v20 =	vadd.f32 v32, v20;
	v27 =	vld [tilespmem:s18+$0xFFFFFF80]  }
0x1fe: {  	v23 =	vadd.f32 $0.0e+00, v23;
	v24 =	vadd.f32 $0.0e+00, v24;
	v28 =	vmul.f32 v37, v28;
	v32 =	vld [tilespmem:s18+$0xFFFFFFA0]  }
0x1ff: {  	v26 =	vadd.f32 v33, v26;
	v22 =	vmul.f32 v25, v22;
	v25 =	vadd.f32 v38, v40;
	v35 =	vld [tilespmem:s18+$0xFFFFFF90]  }
0x200: {  	v20 =	vmul.f32 v20, v34;
	v23 =	vadd.f32 v23, v29;
	v24 =	vadd.f32 v24, v28;
	v33 =	vld [tilespmem:s18+$0xFFFFFFB0]  }
0x201: {  	v21 =	vmul.f32 v21, v26;
	v28 =	vperm.xlane v18, v0;
	v29 =	vld [tilespmem:s18+$0xFFFFFFC0]  }
0x202: {  	v19 =	vmul.f32 v19, v25;
	v22 =	vadd.f32 v22, v23;
	v20 =	vadd.f32 v20, v24;
	v26 =	vld [tilespmem:s18+$0xFFFFFFE0]  }
0x203: {  	v23 =	vmul.bf16 v28, v39;
	v24 =	vperm.xlane v18, v2;
	v25 =	vunpack.i.l.bf16.f32 v27;
	v28 =	vld [tilespmem:s18+$0xFFFFFFD0]  }
0x204: {  	v34 =	vperm.xlane v18, v3;
	v21 =	vadd.f32 v22, v21;
	v19 =	vadd.f32 v20, v19;
	v36 =	vld [tilespmem:s18+$0xFFFFFFF0]  }
0x205: {  	v20 =	vadd.bf16 v1, v23;
	v22 =	vmul.bf16 v24, v41;
	v23 =	vperm.xlane v18, v4  }
0x206: {  	v24 =	vmul.bf16 v34, v42;
	v34 =	vperm.xlane v18, v5;
	v19 =	vadd.f32 v19, v21  }
0x207: {  	v21 =	vadd.bf16 v1, v22;
	v22 =	vmul.bf16 v23, v45;
	v23 =	vperm.xlane v18, v6  }
0x208: {  	v20 =	vadd.bf16 v24, v20;
	v24 =	vmul.bf16 v34, v48;
	v34 =	vperm.xlane v18, v7;
	(xrf2) =	vadd.scan.msk.f32 $0xffff, v19  }
0x209: {  	v19 =	vadd.bf16 v22, v21;
	v21 =	vmul.bf16 v23, v49;
	v22 =	vperm.xlane v18, v8  }
0x20a: {  	v20 =	vadd.bf16 v24, v20;
	v24 =	vperm.xlane v18, v9;
	v23 =	vmul.bf16 v34, v51  }
0x20b: {  	v19 =	vadd.bf16 v21, v19;
	v21 =	vmul.bf16 v22, v52;
	v22 =	vperm.xlane v18, v10  }
0x20c: {  	v20 =	vadd.bf16 v23, v20;
	v23 =	vmul.bf16 v24, v53;
	v24 =	vperm.xlane v18, v11  }
0x20d: {  	s14 =	sadd.s32 $0x1, s17;
	v19 =	vadd.bf16 v21, v19;
	v21 =	vmul.bf16 v22, v54;
	v22 =	vperm.xlane v18, v12  }
0x20e: {  	v20 =	vadd.bf16 v23, v20;
	v23 =	vmul.bf16 v24, v55;
	v24 =	vmov s14  }
0x20f: {  	v19 =	vadd.bf16 v21, v19;
	v21 =	vmul.bf16 v22, v56;
	v22 =	vperm.xlane v18, v13  }
0x210: {  	v34 =	vperm.xlane v18, v15;
	v20 =	vadd.bf16 v23, v20;
	v23 =	vperm.xlane v18, v14  }
0x211: {  	v18 =	vperm.xlane v18, v16;
	v19 =	vadd.bf16 v21, v19;
	v21 =	vmul.bf16 v22, v57  }
0x212: {  	v22 =	vmul.bf16 v23, v30;
	v23 =	vmul.bf16 v34, v31;
	v30 =	vunpack.i.l.bf16.f32 v32;
	v31, _, _ =	vpop (xrf2)  }
0x213: {  	v18 =	vmul.bf16 v18, v44;
	v20 =	vadd.bf16 v21, v20;
	v21 =	vunpack.i.u.bf16.f32 v27;
	[tilespmem:v24+s0+$0x0] =	vst.idx.msk vm0, v31  }
0x214: {  	v19 =	vadd.bf16 v22, v19;
	v22 =	vunpack.i.l.bf16.f32 v35;
	v24 =	vunpack.i.u.bf16.f32 v32  }
0x215: {  	v27 =	vunpack.i.l.bf16.f32 v33;
	v20 =	vadd.bf16 v23, v20;
	v23 =	vunpack.i.u.bf16.f32 v35  }
0x216: {  	v31 =	vunpack.i.l.bf16.f32 v29;
	v18 =	vadd.bf16 v18, v19;
	v19 =	vunpack.i.u.bf16.f32 v33  }
0x217: {  	v34 =	vunpack.i.l.bf16.f32 v26;
	v32 =	vperm.xlane v17, v0;
	v33 =	vperm.xlane v17, v3  }
0x218: {  	v18 =	vadd.bf16 v18, v20;
	v20 =	vunpack.i.u.bf16.f32 v29;
	v29 =	vunpack.i.l.bf16.f32 v28  }
0x219: {  	v37 =	vunpack.i.l.bf16.f32 v36;
	v26 =	vunpack.i.u.bf16.f32 v26;
	v35 =	vperm.xlane v17, v2  }
0x21a: {  	v39 =	vperm.xlane v17, v4;
	v38 =	vunpack.i.u.bf16.f32 v18;
	v18 =	vunpack.i.l.bf16.f32 v18  }
0x21b: {  	v28 =	vunpack.i.u.bf16.f32 v28;
	v25 =	vmul.f32 v25, v18;
	v30 =	vmul.f32 v30, v18  }
0x21c: {  	v36 =	vunpack.i.u.bf16.f32 v36;
	v21 =	vmul.f32 v21, v18;
	v22 =	vmul.f32 v22, v38  }
0x21d: {  	v24 =	vmul.f32 v24, v18;
	v25 =	vadd.f32 $0.0e+00, v25;
	v30 =	vadd.f32 $0.0e+00, v30  }
0x21e: {  	v23 =	vmul.f32 v23, v38;
	v27 =	vmul.f32 v27, v38;
	v21 =	vadd.f32 $0.0e+00, v21  }
0x21f: {  	v19 =	vmul.f32 v19, v38;
	v24 =	vadd.f32 $0.0e+00, v24;
	v22 =	vadd.f32 v22, v25  }
0x220: {  	v25 =	vadd.f32 v27, v30;
	v27 =	vmul.f32 v31, v18;
	v30 =	vmul.f32 v34, v18  }
0x221: {  	v21 =	vadd.f32 v23, v21;
	v19 =	vadd.f32 v19, v24;
	v22 =	vmul.f32 v22, v32  }
0x222: {  	v23 =	vmul.f32 v25, v33;
	v24 =	vadd.f32 $0.0e+00, v27;
	v25 =	vadd.f32 $0.0e+00, v30  }
0x223: {  	v20 =	vmul.f32 v20, v18;
	v27 =	vmul.f32 v29, v38;
	v22 =	vadd.f32 $0.0e+00, v22  }
0x224: {  	v18 =	vmul.f32 v26, v18;
	v26 =	vmul.f32 v37, v38;
	v23 =	vadd.f32 $0.0e+00, v23  }
0x225: {  	v21 =	vmul.f32 v35, v21;
	v19 =	vmul.f32 v39, v19;
	v27 =	vadd.f32 v27, v24  }
0x226: {  	v28 =	vmul.f32 v28, v38;
	v20 =	vadd.f32 $0.0e+00, v20;
	v25 =	vadd.f32 v26, v25  }
0x227: {  	s11 =	sadd.s32 $0x20, s11;
	v18 =	vadd.f32 $0.0e+00, v18;
	v29 =	vmul.f32 v36, v38;
	v26 =	vperm.xlane v17, v5  }
0x228: {  	v21 =	vadd.f32 v22, v21;
	v19 =	vadd.f32 v23, v19;
	v22 =	vperm.xlane v17, v7;
	v24 =	vld [tilespmem:s11+$0x0]  }
0x229: {  	s12 =	sadd.s32 $0x20, s12;
	v20 =	vadd.f32 v28, v20;
	v28 =	vadd.f32 v29, v18;
	v27 =	vmul.f32 v27, v26;
	v23 =	vld [tilespmem:s11+$0xFFFFFFF0]  }
0x22a: {  	v29 =	vperm.xlane v17, v6;
	v22 =	vmul.f32 v25, v22;
	v25 =	vmov s17;
	s17 =	smov.u32 s13;
	v26 =	vld [tilespmem:s12+$0x0]  }
0x22b: {  	v33 =	vperm.xlane v17, v8;
	v27 =	vadd.f32 v27, v21;
	v21 =	vand.u32 $0xFFFFFFFE, v25;
	v18 =	vld [tilespmem:s12+$0xFFFFFFF0]  }
0x22c: {  	s18 =	sadd.s32 $0x100, s18;
	v29 =	vmul.f32 v29, v20;
	v30 =	vadd.f32 v22, v19;
	v20 =	vbroadcast v21, $0x0  }
0x22d: {  	s10 =	sadd.s32 $0x100, s10;
	v31 =	vmul.f32 v33, v28;
	v25 =	vld [tilespmem:s18+$0x50];
	v21 =	vperm.xlane v24, v6  }
.Ltmp1:
0x22e: {  	v37 =	vadd.f32 v27, v29;
	v22 =	vperm.xlane v24, v5;
	v19 =	vperm.xlane v24, v8;
	v32 =	vld [tilespmem:s10+$0x0];
	v17 =	vmovc v23;
	(pc) =	sbr.rel @p0 .LBB2_5-.Ltmp1, $4  }
0x22f: {  	v23 =	vadd.f32 v30, v31;
	v34 =	vld [tilespmem:s10+$0x10];
	v28 =	vperm.xlane v26, v13;
	v27 =	vperm.xlane v26, v15  }
0x230: {  	v30 =	vperm.xlane v26, v9;
	v29 =	vperm.xlane v26, v11;
	v36 =	vld [tilespmem:s10+$0x20]  }
0x231: {  	v33 =	vperm.xlane v26, v5;
	v31 =	vperm.xlane v26, v7;
	v23 =	vadd.f32 v23, v37;
	v35 =	vld [tilespmem:s10+$0x30]  }
0x232: {  	s13 =	sadd.s32 $0x2, s13;
	v38 =	vperm.xlane v26, v0;
	v39 =	vperm.xlane v26, v2;
	v37 =	vld [tilespmem:s10+$0x40]  }
0x233: {  	v40 =	vperm.xlane v26, v3  }
0x234: {  	v41 =	vperm.xlane v26, v4;
	v42 =	vld [tilespmem:s10+$0x50];
	v48 =	vperm.xlane v26, v6  }
0x235: {  	v47 =	vld [tilespmem:s10+$0x60];
	v32 =	vmul.bf16 v38, v32;
	v34 =	vmul.bf16 v39, v34  }
0x236: {  	v49 =	vld [tilespmem:s10+$0x70];
	s11 =	sadd.s32 $0x100, s23;
	v51 =	vperm.xlane v26, v8;
	v36 =	vmul.bf16 v40, v36  }
0x237: {  	v50 =	vld [tilespmem:s11+$0x0];
	v32 =	vadd.bf16 v1, v32;
	v34 =	vadd.bf16 v1, v34;
	v35 =	vmul.bf16 v41, v35  }
0x238: {  	v54 =	vperm.xlane v26, v10;
	v43 =	vld [tilespmem:s11+$0x10];
	v33 =	vmul.bf16 v33, v37  }
0x239: {  	v53 =	vld [tilespmem:s11+$0x20];
	v32 =	vadd.bf16 v36, v32;
	v34 =	vadd.bf16 v35, v34;
	v52 =	vmul.bf16 v48, v42  }
0x23a: {  	v59 =	vperm.xlane v26, v12;
	v55 =	vld [tilespmem:s11+$0x30];
	v31 =	vmul.bf16 v31, v47  }
0x23b: {  	v58 =	vld [tilespmem:s11+$0x40];
	v57 =	vmul.bf16 v51, v49;
	v32 =	vadd.bf16 v33, v32;
	v56 =	vadd.bf16 v52, v34  }
0x23c: {  	v46 =	vperm.xlane v26, v16;
	v60 =	vld [tilespmem:s11+$0x50];
	v30 =	vmul.bf16 v30, v50  }
0x23d: {  	v63 =	vld [tilespmem:s11+$0x60];
	v62 =	vmul.bf16 v54, v43;
	v31 =	vadd.bf16 v31, v32;
	v61 =	vadd.bf16 v57, v56  }
0x23e: {  	v41 =	vperm.xlane v26, v14;
	v42 =	vld [tilespmem:s11+$0x70];
	v29 =	vmul.bf16 v29, v53  }
0x23f: {  	v45 =	vld [tilespmem:s18+$0x70];
	v44 =	vmul.bf16 v59, v55;
	v30 =	vadd.bf16 v30, v31;
	v43 =	vadd.bf16 v62, v61  }
0x240: {  	v38 =	vperm.xlane v24, v2;
	v47 =	vld [tilespmem:s18+$0x40];
	v28 =	vmul.bf16 v28, v58  }
0x241: {  	v53 =	vmul.bf16 v41, v60;
	v54 =	vld [tilespmem:s18+$0x60];
	v29 =	vadd.bf16 v29, v30;
	v52 =	vadd.bf16 v44, v43  }
0x242: {  	v39 =	vperm.xlane v24, v4;
	v27 =	vmul.bf16 v27, v63;
	v55 =	vld [tilespmem:s18+$0x10]  }
0x243: {  	v59 =	vld [tilespmem:s18+$0x0];
	v26 =	vmul.bf16 v46, v42;
	v28 =	vadd.bf16 v28, v29;
	v56 =	vadd.bf16 v53, v52  }
0x244: {  	v36 =	vperm.xlane v24, v7;
	v49 =	vperm.xlane v24, v0;
	v58 =	vunpack.i.u.bf16.f32 v25  }
0x245: {  	v60 =	vunpack.i.u.bf16.f32 v45;
	v27 =	vadd.bf16 v27, v28;
	v26 =	vadd.bf16 v26, v56  }
0x246: {  	v63 =	vunpack.i.l.bf16.f32 v25;
	v50 =	vperm.xlane v24, v3;
	v33 =	vunpack.i.l.bf16.f32 v45  }
0x247: {  	v57 =	vld [tilespmem:s18+$0x30];
	v35 =	vunpack.i.l.bf16.f32 v47;
	v61 =	vunpack.i.u.bf16.f32 v47;
	v26 =	vadd.bf16 v26, v27  }
0x248: {  	v62 =	vld [tilespmem:s18+$0x20];
	v48 =	vunpack.i.u.bf16.f32 v54;
	v51 =	vunpack.i.u.bf16.f32 v55;
	v45 =	vunpack.i.u.bf16.f32 v59  }
0x249: {  	v32 =	vunpack.i.l.bf16.f32 v54;
	v34 =	vunpack.i.l.bf16.f32 v55;
	v44 =	vunpack.i.u.bf16.f32 v26  }
0x24a: {  	v47 =	vperm.xlane v18, v2;
	v26 =	vunpack.i.l.bf16.f32 v26;
	v31 =	vmul.f32 v58, v44  }
0x24b: {  	v37 =	vunpack.i.l.bf16.f32 v59;
	v28 =	vmul.f32 v61, v26;
	v25 =	vmul.f32 v63, v44  }
0x24c: {  	v30 =	vunpack.i.l.bf16.f32 v57;
	v41 =	vmul.f32 v48, v26;
	v42 =	vmul.f32 v51, v44  }
0x24d: {  	v46 =	vunpack.i.u.bf16.f32 v62;
	v35 =	vmul.f32 v35, v26;
	v45 =	vmul.f32 v45, v26  }
0x24e: {  	v29 =	vunpack.i.l.bf16.f32 v62;
	v34 =	vmul.f32 v34, v44;
	v37 =	vmul.f32 v37, v26  }
0x24f: {  	v52 =	vunpack.i.u.bf16.f32 v57;
	v57 =	vld [tilespmem:s10+$0xFFFFFF90];
	v29 =	vmul.f32 v29, v26;
	v46 =	vmul.f32 v46, v26  }
0x250: {  	v30 =	vmul.f32 v30, v44;
	v26 =	vmul.f32 v32, v26;
	v28 =	vadd.f32 $0.0e+00, v28  }
0x251: {  	v54 =	vmul.f32 v52, v44;
	v35 =	vadd.f32 $0.0e+00, v35;
	v41 =	vadd.f32 $0.0e+00, v41  }
0x252: {  	v33 =	vmul.f32 v33, v44;
	v37 =	vadd.f32 $0.0e+00, v37;
	v29 =	vadd.f32 $0.0e+00, v29  }
0x253: {  	v59 =	vmul.f32 v60, v44;
	v45 =	vadd.f32 $0.0e+00, v45;
	v46 =	vadd.f32 $0.0e+00, v46  }
0x254: {  	v52 =	vmul.bf16 v47, v57;
	v26 =	vadd.f32 $0.0e+00, v26;
	v53 =	vadd.f32 v34, v37  }
0x255: {  	v55 =	vld [tilespmem:s10+$0xFFFFFF80];
	v57 =	vperm.xlane v18, v6;
	v29 =	vadd.f32 v30, v29;
	v56 =	vadd.f32 v42, v45  }
0x256: {  	v58 =	vld [tilespmem:s10+$0xFFFFFFA0];
	v30 =	vadd.f32 v54, v46;
	v25 =	vadd.f32 v25, v35;
	v45 =	vperm.xlane v18, v0  }
0x257: {  	v60 =	vld [tilespmem:s10+$0xFFFFFFB0];
	v28 =	vadd.f32 v31, v28;
	v27 =	vmul.f32 v53, v49;
	v24 =	vmul.f32 v29, v50  }
0x258: {  	v63 =	vld [tilespmem:s10+$0xFFFFFFC0];
	v26 =	vadd.f32 v33, v26;
	v61 =	vmul.f32 v38, v56;
	v30 =	vmul.f32 v39, v30  }
0x259: {  	v44 =	vld [tilespmem:s10+$0xFFFFFFD0];
	v25 =	vmul.f32 v25, v22;
	v22 =	vadd.f32 v59, v41;
	v21 =	vmul.f32 v21, v28  }
0x25a: {  	v48 =	vld [tilespmem:s10+$0xFFFFFFF0];
	v49 =	vmul.bf16 v45, v55;
	v50 =	vperm.xlane v18, v3;
	v27 =	vadd.f32 $0.0e+00, v27  }
0x25b: {  	v46 =	vld [tilespmem:s10+$0xFFFFFFE0];
	v53 =	vperm.xlane v18, v4;
	v55 =	vperm.xlane v18, v5;
	v62 =	vadd.f32 $0.0e+00, v24  }
0x25c: {  	v51 =	vld [tilespmem:s11+$0xFFFFFF80];
	v24 =	vmul.f32 v26, v36;
	v29 =	vmul.bf16 v50, v58;
	v27 =	vadd.f32 v27, v61  }
0x25d: {  	v47 =	vld [tilespmem:s11+$0xFFFFFFD0];
	v28 =	vmul.bf16 v53, v60;
	v26 =	vadd.f32 v62, v30;
	v30 =	vadd.bf16 v1, v49  }
0x25e: {  	v54 =	vld [tilespmem:s11+$0xFFFFFF90];
	v60 =	vperm.xlane v18, v7;
	v25 =	vadd.f32 v25, v27;
	v27 =	vadd.bf16 v1, v52  }
0x25f: {  	v56 =	vld [tilespmem:s11+$0xFFFFFFA0];
	v59 =	vmul.bf16 v55, v63;
	v61 =	vmul.bf16 v57, v44;
	v29 =	vadd.bf16 v29, v30  }
0x260: {  	v38 =	vld [tilespmem:s18+$0xFFFFFF80];
	v62 =	vperm.xlane v18, v8;
	v45 =	vmul.bf16 v60, v46;
	v27 =	vadd.bf16 v28, v27  }
0x261: {  	v58 =	vld [tilespmem:s11+$0xFFFFFFB0];
	v46 =	vperm.xlane v18, v9;
	v49 =	vperm.xlane v18, v10;
	v29 =	vadd.bf16 v59, v29  }
0x262: {  	v63 =	vld [tilespmem:s11+$0xFFFFFFC0];
	v57 =	vperm.xlane v18, v13;
	v48 =	vmul.bf16 v62, v48;
	v27 =	vadd.bf16 v61, v27  }
0x263: {  	v50 =	vld [tilespmem:s11+$0xFFFFFFE0];
	v44 =	vmul.bf16 v46, v51;
	v51 =	vmul.bf16 v49, v54;
	v29 =	vadd.bf16 v45, v29  }
0x264: {  	v55 =	vld [tilespmem:s18+$0xFFFFFF90];
	v52 =	vperm.xlane v18, v12;
	v45 =	vperm.xlane v18, v11;
	v27 =	vadd.bf16 v48, v27  }
0x265: {  	v53 =	vld [tilespmem:s11+$0xFFFFFFF0];
	v60 =	vperm.xlane v18, v15;
	v59 =	vperm.xlane v18, v14;
	v29 =	vadd.bf16 v44, v29  }
0x266: {  	v46 =	vld [tilespmem:s18+$0xFFFFFFA0];
	v54 =	vmul.bf16 v45, v56;
	v56 =	vmul.bf16 v52, v58;
	v27 =	vadd.bf16 v51, v27  }
0x267: {  	v62 =	vmul.bf16 v57, v63;
	v63 =	vld [tilespmem:s18+$0xFFFFFFE0];
	v18 =	vperm.xlane v18, v16  }
0x268: {  	v61 =	vld [tilespmem:s18+$0xFFFFFFC0];
	v30 =	vmul.bf16 v59, v47;
	v29 =	vadd.bf16 v54, v29;
	v27 =	vadd.bf16 v56, v27  }
0x269: {  	v41 =	vunpack.i.l.bf16.f32 v38;
	v32 =	vunpack.i.u.bf16.f32 v55;
	v47 =	vmul.bf16 v60, v50  }
0x26a: {  	v58 =	vld [tilespmem:s18+$0xFFFFFFB0];
	v18 =	vmul.bf16 v18, v53;
	v28 =	vadd.bf16 v62, v29;
	v27 =	vadd.bf16 v30, v27  }
0x26b: {  	v57 =	vperm.xlane v17, v3;
	v50 =	vunpack.i.u.bf16.f32 v38;
	v48 =	vunpack.i.l.bf16.f32 v46  }
0x26c: {  	v52 =	vunpack.i.l.bf16.f32 v55;
	v28 =	vadd.bf16 v47, v28;
	v18 =	vadd.bf16 v18, v27  }
0x26d: {  	v49 =	vld [tilespmem:s18+$0xFFFFFFD0];
	v31 =	vunpack.i.u.bf16.f32 v63;
	v55 =	vunpack.i.l.bf16.f32 v61;
	v59 =	vunpack.i.u.bf16.f32 v61  }
0x26e: {  	v61 =	vperm.xlane v17, v2;
	v56 =	vperm.xlane v17, v0;
	v18 =	vadd.bf16 v18, v28  }
0x26f: {  	v51 =	vld [tilespmem:s18+$0xFFFFFFF0];
	v53 =	vunpack.i.l.bf16.f32 v58;
	v54 =	vunpack.i.u.bf16.f32 v58;
	v58 =	vunpack.i.l.bf16.f32 v63  }
0x270: {  	v47 =	vperm.xlane v17, v4;
	v63 =	vunpack.i.u.bf16.f32 v18;
	v18 =	vunpack.i.l.bf16.f32 v18  }
0x271: {  	v34 =	vunpack.i.u.bf16.f32 v46;
	v41 =	vmul.f32 v41, v18;
	v35 =	vmul.f32 v48, v18  }
0x272: {  	v60 =	vunpack.i.l.bf16.f32 v49;
	v29 =	vmul.f32 v50, v18;
	v30 =	vmul.f32 v52, v63  }
0x273: {  	v36 =	vunpack.i.u.bf16.f32 v49;
	v34 =	vmul.f32 v34, v18;
	v32 =	vmul.f32 v32, v63  }
0x274: {  	v62 =	vunpack.i.l.bf16.f32 v51;
	v33 =	vmul.f32 v53, v63;
	v27 =	vmul.f32 v54, v63  }
0x275: {  	v37 =	vunpack.i.u.bf16.f32 v51;
	v48 =	vmul.f32 v58, v18;
	v28 =	vmul.f32 v59, v18  }
0x276: {  	v52 =	vmul.f32 v60, v63;
	v41 =	vadd.f32 $0.0e+00, v41;
	v35 =	vadd.f32 $0.0e+00, v35  }
0x277: {  	v53 =	vmul.f32 v62, v63;
	v29 =	vadd.f32 $0.0e+00, v29;
	v34 =	vadd.f32 $0.0e+00, v34  }
0x278: {  	v54 =	vmul.f32 v36, v63;
	v51 =	vadd.f32 $0.0e+00, v48;
	v28 =	vadd.f32 $0.0e+00, v28  }
0x279: {  	v59 =	vperm.xlane v17, v6;
	v30 =	vadd.f32 v30, v41;
	v33 =	vadd.f32 v33, v35  }
0x27a: {  	v41 =	vmul.f32 v55, v18;
	v29 =	vadd.f32 v32, v29;
	v27 =	vadd.f32 v27, v34  }
0x27b: {  	v18 =	vmul.f32 v31, v18;
	v31 =	vadd.f32 v53, v51;
	v55 =	vperm.xlane v17, v5  }
0x27c: {  	v28 =	vadd.f32 v54, v28;
	v30 =	vmul.f32 v30, v56;
	v49 =	vmul.f32 v33, v57  }
0x27d: {  	v50 =	vadd.f32 $0.0e+00, v41;
	v29 =	vmul.f32 v61, v29;
	v27 =	vmul.f32 v47, v27  }
0x27e: {  	v18 =	vadd.f32 $0.0e+00, v18;
	v56 =	vmul.f32 v37, v63;
	v30 =	vadd.f32 $0.0e+00, v30  }
0x27f: {  	v57 =	vperm.xlane v17, v7;
	v32 =	vadd.f32 $0.0e+00, v49;
	v33 =	vadd.f32 v52, v50  }
0x280: {  	v17 =	vperm.xlane v17, v8;
	v18 =	vadd.f32 v56, v18;
	v29 =	vadd.f32 v30, v29  }
0x281: {  	v27 =	vadd.f32 v32, v27;
	v58 =	vmul.f32 v33, v55;
	v30 =	vmul.f32 v31, v57  }
0x282: {  	v19 =	vmul.f32 v19, v22;
	v24 =	vadd.f32 v24, v26;
	v61 =	vmul.f32 v59, v28  }
0x283: {  	v17 =	vmul.f32 v17, v18;
	v60 =	vadd.f32 v58, v29;
	v27 =	vadd.f32 v30, v27  }
0x284: {  	v19 =	vadd.f32 v24, v19;
	v18 =	vadd.f32 v25, v21  }
0x285: {  	v62 =	vadd.f32 v60, v61;
	v17 =	vadd.f32 v27, v17  }
0x286: {  	v18 =	vadd.f32 v19, v18  }
0x287: {  	(xrf2) =	vadd.scan.msk.f32 $0xffff, v23;
	v17 =	vadd.f32 v17, v62  }
0x288: {  	(xrf2) =	vadd.scan.msk.f32 $0xffff, v18  }
0x289: {  	(xrf2) =	vadd.scan.msk.f32 $0xffff, v17;
	_ =	sdelay $0x2  }
0x28a: {  	v17 =	vmov s17  }
0x28b: {  	s23 =	sadd.s32 $0x1, s17;
	v17 =	vand.u32 $0xFFFFFFFE, v17  }
0x28c: {  	v18 =	vmov s23;
	v17 =	vbroadcast v17, $0x0;
	_ =	sdelay $0x2  }
0x28d: {  	v19, _, _ =	vpop (xrf2)  }
0x28e: {  	s24 =	sor.u32 s7, s22;
	s21 =	sadd.s32 $0x1, s21;
	[tilespmem:v20+s0+$0x0] =	vst.idx.msk vm0, v19;
	v63, _, _ =	vpop (xrf2)  }
0x28f: {  	p0 =	sne.s32 s21, $0x10;
	s10 =	sshrl.u32 s24, $0x3;
	[tilespmem:v18+s0+$0x0] =	vst.idx.msk vm0, v63;
	v18, _, _ =	vpop (xrf2)  }
.Ltmp2:
0x290: {  	s10 =	sadd.s32 s2, s10;
	[tilespmem:v17+s0+$0x0] =	vst.idx.msk vm0, v18;
	(pc) =	sbr.rel @p0 .LBB2_2-.Ltmp2, $4  }
0x291: {  	[hbm4b:s10+s4] =	stream.linear.scatter [tilespmem:s0], [sflag:$0x3], $0x80, $0x38;
	[tilespmem:$0x1E080] =	vst v63  }
0x292: {  	_ =	swait.ge [sflag:s15], $0x80  }
0x293: {  	[sflag:s15] =	ssyncset.done $0x0  }
0x294: {  	[sflag:s15] =	ssyncadd.s32 $0xFFFFFF80  }
0x295: {  	s20 =	sadd.s32 $0x1, s20;
	s10 =	rddreg [dreg:$0x7]  }
0x296: {  	p0 =	sne.s32 s20, s10  }
.Ltmp3:
0x297: {  	_ = 	snop;
	(pc) =	sbr.rel @p0 .LBB2_1-.Ltmp3, $1  }
0x298: {  	_ =	sdelay $0x3  }
0x299: {  	_ =	sfence.sel $0x180000  }
0x29a: {  	[bflag:$0x0] =	sbarrier.arrive $0xFFFF  }
0x29b: {  	_ =	strace $0x90000047  }
0x29c: {  	s0 =	stileid.u32;
	[bflag:$0x2] =	sbarrier.arrive $0xFFFF  }
0x29d: {  	p0 =	sne.s32 s0, $0x0;
	s0 =	rddreg [dreg:$0x2]  }
0x29e: {  	s0 =	sadd.s32 @!p0 $0x100000, s0  }
0x29f: {  	[sflag:s0] =	ssyncadd.tile.s32 @!p0 $0x1;
	_ =	shalt  }
.Lfunc_end2:
_tile_overlayer_lowered:
.L_overlay_start_2:
0x2a0: {  	(tag) =	ssettag $0x2  }
0x2a1: {  	s0 =	rddreg [dreg:$0x0];
	s2 =	stileid.u32  }
0x2a2: {  	s1 =	rddreg [dreg:$0x1];
	p0 =	sne.s32 s2, $0x0  }
0x2a3: {  	s3 =	rddreg [dreg:$0x2];
	[bflag:$0x3] =	sbarrier.arrive $0xFFFF;
	s2 =	simm.s32 @!p0 $0x1C03  }
0x2a4: {  	[timem:s3], [sflag:s2] =	dma.local @!p0 [hbm:s0], s1  }
0x2a5: {  	s0 =	simm.s32 @!p0 $0x3  }
0x2a6: {  	_ =	swait.ge @!p0 [sflag:s0], s1  }
0x2a7: {  	s1 =	ssub.s32 @!p0 $0x0, s1;
	[sflag:s0] =	ssyncset.done @!p0 $0x0  }
0x2a8: {  	[sflag:s0] =	ssyncadd.s32 @!p0 s1  }
0x2a9: {  	[bflag:$0x3] =	sbarrier.arrive $0xFFFF  }
0x2aa: {  	_ =	shalt  }

</sc_bundles>
